<compile_context>
chip_gen: v7x
topology: tpu7x:2x2x1
jax: 0.10.2.dev20260603
libtpu: 0.0.44.dev20260713+nightly
codegen_flags: <defaults>
</compile_context>

<pallas_src>
import functools

import jax
import jax.numpy as jnp
from jax import lax
from jax.experimental import pallas as pl
from jax.experimental.pallas import tpu as pltpu
from jax.experimental.pallas import tpu_sc as plsc

_NC = 2
_NS = 16
_NW = _NC * _NS
_L = 16

_PT_THLD = 0.9
_LN2 = 0.6931471805599453
_UNROLL = 8

_LNP = (3.386965308216361e-08, 0.9999942724811793, -0.49983856183428216,
        0.3315486165205882, -0.23982616050327174, 0.16582275268978378,
        -0.09325203898561087, 0.03484971247846261, -0.0061514709617767945)


def _ln(x):
    bits = plsc.bitcast(x, jnp.int32)
    e = (bits >> 23) - 127
    m = plsc.bitcast((bits & 0x007FFFFF) | 0x3F800000, jnp.float32)
    t = m - 1.0
    p = _LNP[8]
    for c in _LNP[7::-1]:
        p = c + t * p
    return p + e.astype(jnp.float32) * _LN2


def _make_sc_loss(n_edges, n_nodes, chunk):
    nchunks = n_edges // chunk
    npairs = nchunks // 2
    vecs = chunk // _L
    assert nchunks * chunk == n_edges and npairs * 2 == nchunks
    assert chunk % 128 == 0 and vecs % _UNROLL == 0
    mesh = plsc.VectorSubcoreMesh(core_axis_name="c", subcore_axis_name="s")

    @functools.partial(
        pl.kernel,
        out_type=jax.ShapeDtypeStruct((_NW, _L), jnp.float32),
        mesh=mesh,
        compiler_params=pltpu.CompilerParams(needs_layout_passes=False),
        scratch_types=[
            pltpu.VMEM((n_nodes,), jnp.float32),
            pltpu.VMEM((chunk,), jnp.float32),
            pltpu.VMEM((chunk,), jnp.float32),
            pltpu.VMEM((chunk,), jnp.int32),
            pltpu.VMEM((chunk,), jnp.int32),
            pltpu.VMEM((2, chunk), jnp.int32),
            pltpu.VMEM((2, chunk), jnp.int32),
            pltpu.VMEM((_L,), jnp.float32),
            pltpu.SemaphoreType.DMA,
            pltpu.SemaphoreType.DMA,
        ],
    )
    def sc_loss(w_hbm, y_hbm, ei_hbm, pt_hbm, out_hbm,
                pt_v, w0_v, w1_v, y0_v, y1_v, ei0_v, ei1_v,
                acc_v, sem0, sem1):
        wid = lax.axis_index("s") * _NC + lax.axis_index("c")
        w_v = (w0_v, w1_v)
        y_v = (y0_v, y1_v)
        ei_v = (ei0_v, ei1_v)
        sems = (sem0, sem1)
        cnt = (npairs - wid + _NW - 1) // _NW

        def copies(c, b):
            cbase = pl.multiple_of(c * chunk, 128)
            sl = pl.ds(cbase, chunk)
            return (
                pltpu.make_async_copy(w_hbm.at[sl], w_v[b], sems[b]),
                pltpu.make_async_copy(y_hbm.at[sl], y_v[b], sems[b]),
                pltpu.make_async_copy(ei_hbm.at[:, sl], ei_v[b], sems[b]),
            )

        def start(c, b):
            for cp in copies(c, b):
                cp.start()

        def wait(c, b):
            for cp in copies(c, b):
                cp.wait()

        def compute(b, acc):
            def vec_body(i, acc):
                sl = pl.ds(i, _L)
                idx = ei_v[b][0, sl]
                g = plsc.load_gather(pt_v, [idx])
                wv = w_v[b][sl]
                yv = y_v[b][sl]
                ym = (yv != 0) & (g > _PT_THLD)
                sel = jnp.where(ym, wv, 1.0 - wv)
                return acc - _ln(sel)

            return plsc.parallel_loop(0, chunk, _L, unroll=_UNROLL,
                                      carry=acc)(vec_body)

        start(2 * wid, 0)
        start(2 * wid + 1, 1)
        pltpu.sync_copy(pt_hbm, pt_v)

        def pair_body(k, acc):
            p = wid + k * _NW
            pn = wid + (lax.rem(k + 1, cnt)) * _NW
            wait(2 * p, 0)
            acc = compute(0, acc)
            start(2 * pn, 0)
            wait(2 * p + 1, 1)
            acc = compute(1, acc)
            start(2 * pn + 1, 1)
            return acc

        acc = lax.fori_loop(0, cnt, pair_body, jnp.zeros((_L,), jnp.float32))
        wait(2 * wid, 0)
        wait(2 * wid + 1, 1)
        acc_v[...] = acc
        pltpu.sync_copy(acc_v, out_hbm.at[wid])

    return sc_loss


def kernel(w, y, edge_index, pt):
    n_edges = w.shape[0]
    n_nodes = pt.shape[0]
    sc_loss = _make_sc_loss(n_edges, n_nodes, chunk=3200)
    partials = sc_loss(w, y.astype(jnp.int32), edge_index.astype(jnp.int32),
                       pt)
    return jnp.sum(partials) / n_edges

# --- scband reference (transcript-rebuilt; emitter-appended) ---
"""Pipeline reference for scband-falsify-low-pt-edge-weight-loss-43379169690264 (READ-ONLY COPY).

The authoritative reference and input builder live on the scoring server;
editing this copy changes nothing except your own understanding.
"""

import jax, jax.numpy as jnp
import numpy as np

N_NODES = 100000
N_EDGES = 6400000
PT_THLD = 0.9

def setup_inputs(seed: int = 0) -> dict:
    key = jax.random.key(seed)
    k1, k2, k3, k4 = jax.random.split(key, 4)
    w = jax.random.uniform(k1, (N_EDGES,), dtype=jnp.float32)
    y = jax.random.randint(k2, (N_EDGES,), 0, 2, dtype=jnp.int64)
    edge_index = jax.random.randint(k3, (2, N_EDGES), 0, N_NODES, dtype=jnp.int64)
    pt = jax.random.uniform(k4, (N_NODES,), dtype=jnp.float32)
    return {"w": w, "y": y, "edge_index": edge_index, "pt": pt}

def reference(w, y, edge_index, pt):
    # falsify_low_pt_edges: edges whose source hit has pt <= pt_thld are labeled false
    pt_src = jnp.take(pt, edge_index[0, :], axis=0)
    y_mod = (y.astype(bool) & (pt_src > PT_THLD)).astype(jnp.float32)
    # _forward: binary cross entropy between predicted edge weights w and y_mod
    # (matches torch.nn.functional.binary_cross_entropy with log clamped to -100)
    log_w = jnp.clip(jnp.log(w), -100.0, None)
    log_1mw = jnp.clip(jnp.log1p(-w), -100.0, None)
    loss = -(y_mod * log_w + (1.0 - y_mod) * log_1mw)
    return jnp.mean(loss)

if __name__ == "__main__":
    import jax
    _d = setup_inputs()
    print(jax.jit(kernel)(*tuple(_d.values())))

</pallas_src>

<mosaic_0001>
#map = affine_map<(d0, d1) -> (0)>
#map1 = affine_map<(d0, d1) -> (0, 0)>
module attributes {stable_mosaic.version = 14 : i64} {
  func.func @sc_loss(%arg0: i32, %arg1: i32, %arg2: memref<6400000xf32, #tpu.memory_space<hbm>>, %arg3: memref<6400000xi32, #tpu.memory_space<hbm>>, %arg4: memref<2x6400000xi32, #tpu.memory_space<hbm>>, %arg5: memref<100000xf32, #tpu.memory_space<hbm>>, %arg6: memref<32x16xf32, #tpu.memory_space<hbm>>, %arg7: memref<100000xf32, #tpu.memory_space<vmem>>, %arg8: memref<3200xf32, #tpu.memory_space<vmem>>, %arg9: memref<3200xf32, #tpu.memory_space<vmem>>, %arg10: memref<3200xi32, #tpu.memory_space<vmem>>, %arg11: memref<3200xi32, #tpu.memory_space<vmem>>, %arg12: memref<2x3200xi32, #tpu.memory_space<vmem>>, %arg13: memref<2x3200xi32, #tpu.memory_space<vmem>>, %arg14: memref<16xf32, #tpu.memory_space<vmem>>, %arg15: memref<!tpu.dma_semaphore, #tpu.memory_space<semaphore_mem>>, %arg16: memref<!tpu.dma_semaphore, #tpu.memory_space<semaphore_mem>>) attributes {dimension_semantics = [#tpu.dimension_semantics<core_parallel>, #tpu.dimension_semantics<subcore_parallel>], iteration_bounds = array<i64: 2, 16>, scalar_prefetch = 0 : i64, scratch_operands = 10 : i64, tpu.core_type = #tpu.core_type<sc_vector_subcore>, window_params = [{transform_indices = #map}, {transform_indices = #map}, {transform_indices = #map1}, {transform_indices = #map}, {transform_indices = #map1}]} {
    %mul3A = arith.constant 2 : i32
    %mul3A_0 = arith.muli %arg1, %mul3A : i32
    %add3A = arith.addi %mul3A_0, %arg0 : i32
    %sub3A = arith.constant 1000 : i32
    %sub3A_1 = arith.subi %sub3A, %add3A : i32
    %add3A_2 = arith.constant 32 : i32
    %add3A_3 = arith.addi %sub3A_1, %add3A_2 : i32
    %sub3A_4 = arith.constant 1 : i32
    %sub3A_5 = arith.subi %add3A_3, %sub3A_4 : i32
    %jit3A = arith.constant 32 : i32
    %div3A = arith.divsi %sub3A_5, %jit3A : i32
    %sign3A = arith.constant 0 : i32
    %sign3A_6 = arith.cmpi sgt, %sub3A_5, %sign3A : i32
    %sign3A_7 = arith.extui %sign3A_6 : i1 to i32
    %sign3A_8 = arith.constant 0 : i32
    %sign3A_9 = arith.cmpi slt, %sub3A_5, %sign3A_8 : i32
    %sign3A_10 = arith.extui %sign3A_9 : i1 to i32
    %sign3A_11 = arith.subi %sign3A_7, %sign3A_10 : i32
    %sign3A_12 = arith.constant 0 : i32
    %sign3A_13 = arith.cmpi sgt, %jit3A, %sign3A_12 : i32
    %sign3A_14 = arith.extui %sign3A_13 : i1 to i32
    %sign3A_15 = arith.constant 0 : i32
    %sign3A_16 = arith.cmpi slt, %jit3A, %sign3A_15 : i32
    %sign3A_17 = arith.extui %sign3A_16 : i1 to i32
    %sign3A_18 = arith.subi %sign3A_14, %sign3A_17 : i32
    %ne3A = arith.cmpi ne, %sign3A_11, %sign3A_18 : i32
    %rem3A = arith.remsi %sub3A_5, %jit3A : i32
    %ne3A_19 = arith.constant 0 : i32
    %ne3A_20 = arith.cmpi ne, %rem3A, %ne3A_19 : i32
    %and3A = arith.andi %ne3A, %ne3A_20 : i1
    %sub3A_21 = arith.constant 1 : i32
    %sub3A_22 = arith.subi %div3A, %sub3A_21 : i32
    %select_n3A = arith.select %and3A, %sub3A_22, %div3A : i32
    %mul3A_23 = arith.constant 2 : i32
    %mul3A_24 = arith.muli %mul3A_23, %add3A : i32
    %mul3A_25 = arith.constant 3200 : i32
    %mul3A_26 = arith.muli %mul3A_24, %mul3A_25 : i32
    %multiple_of3A = tpu.assume_multiple %mul3A_26, 128 : i32
    %dma_start3A = tpu.memref_slice %arg2[%multiple_of3A] : memref<6400000xf32, #tpu.memory_space<hbm>> -> memref<3200xf32, #tpu.memory_space<hbm>>
    %dma_start3A_27 = tpu.memref_slice %arg2[%multiple_of3A] : memref<6400000xf32, #tpu.memory_space<hbm>> -> memref<3200xf32, #tpu.memory_space<hbm>>
    tpu.enqueue_dma source(%dma_start3A_27 : memref<3200xf32, #tpu.memory_space<hbm>>) target(%arg8 : memref<3200xf32, #tpu.memory_space<vmem>>) target_semaphore(%arg15 : memref<!tpu.dma_semaphore, #tpu.memory_space<semaphore_mem>>)
    %dma_start3A_28 = tpu.memref_slice %arg3[%multiple_of3A] : memref<6400000xi32, #tpu.memory_space<hbm>> -> memref<3200xi32, #tpu.memory_space<hbm>>
    %dma_start3A_29 = tpu.memref_slice %arg3[%multiple_of3A] : memref<6400000xi32, #tpu.memory_space<hbm>> -> memref<3200xi32, #tpu.memory_space<hbm>>
    tpu.enqueue_dma source(%dma_start3A_29 : memref<3200xi32, #tpu.memory_space<hbm>>) target(%arg10 : memref<3200xi32, #tpu.memory_space<vmem>>) target_semaphore(%arg15 : memref<!tpu.dma_semaphore, #tpu.memory_space<semaphore_mem>>)
    %dma_start3A_30 = arith.constant 0 : i32
    %dma_start3A_31 = tpu.memref_slice %arg4[%dma_start3A_30, %multiple_of3A] : memref<2x6400000xi32, #tpu.memory_space<hbm>> -> memref<2x3200xi32, #tpu.memory_space<hbm>>
    %dma_start3A_32 = arith.constant 0 : i32
    %dma_start3A_33 = tpu.memref_slice %arg4[%dma_start3A_32, %multiple_of3A] : memref<2x6400000xi32, #tpu.memory_space<hbm>> -> memref<2x3200xi32, #tpu.memory_space<hbm>>
    tpu.enqueue_dma source(%dma_start3A_33 : memref<2x3200xi32, #tpu.memory_space<hbm>>) target(%arg12 : memref<2x3200xi32, #tpu.memory_space<vmem>>) target_semaphore(%arg15 : memref<!tpu.dma_semaphore, #tpu.memory_space<semaphore_mem>>)
    %mul3A_34 = arith.constant 2 : i32
    %mul3A_35 = arith.muli %mul3A_34, %add3A : i32
    %add3A_36 = arith.constant 1 : i32
    %add3A_37 = arith.addi %mul3A_35, %add3A_36 : i32
    %mul3A_38 = arith.constant 3200 : i32
    %mul3A_39 = arith.muli %add3A_37, %mul3A_38 : i32
    %multiple_of3A_40 = tpu.assume_multiple %mul3A_39, 128 : i32
    %dma_start3A_41 = tpu.memref_slice %arg2[%multiple_of3A_40] : memref<6400000xf32, #tpu.memory_space<hbm>> -> memref<3200xf32, #tpu.memory_space<hbm>>
    %dma_start3A_42 = tpu.memref_slice %arg2[%multiple_of3A_40] : memref<6400000xf32, #tpu.memory_space<hbm>> -> memref<3200xf32, #tpu.memory_space<hbm>>
    tpu.enqueue_dma source(%dma_start3A_42 : memref<3200xf32, #tpu.memory_space<hbm>>) target(%arg9 : memref<3200xf32, #tpu.memory_space<vmem>>) target_semaphore(%arg16 : memref<!tpu.dma_semaphore, #tpu.memory_space<semaphore_mem>>)
    %dma_start3A_43 = tpu.memref_slice %arg3[%multiple_of3A_40] : memref<6400000xi32, #tpu.memory_space<hbm>> -> memref<3200xi32, #tpu.memory_space<hbm>>
    %dma_start3A_44 = tpu.memref_slice %arg3[%multiple_of3A_40] : memref<6400000xi32, #tpu.memory_space<hbm>> -> memref<3200xi32, #tpu.memory_space<hbm>>
    tpu.enqueue_dma source(%dma_start3A_44 : memref<3200xi32, #tpu.memory_space<hbm>>) target(%arg11 : memref<3200xi32, #tpu.memory_space<vmem>>) target_semaphore(%arg16 : memref<!tpu.dma_semaphore, #tpu.memory_space<semaphore_mem>>)
    %dma_start3A_45 = arith.constant 0 : i32
    %dma_start3A_46 = tpu.memref_slice %arg4[%dma_start3A_45, %multiple_of3A_40] : memref<2x6400000xi32, #tpu.memory_space<hbm>> -> memref<2x3200xi32, #tpu.memory_space<hbm>>
    %dma_start3A_47 = arith.constant 0 : i32
    %dma_start3A_48 = tpu.memref_slice %arg4[%dma_start3A_47, %multiple_of3A_40] : memref<2x6400000xi32, #tpu.memory_space<hbm>> -> memref<2x3200xi32, #tpu.memory_space<hbm>>
    tpu.enqueue_dma source(%dma_start3A_48 : memref<2x3200xi32, #tpu.memory_space<hbm>>) target(%arg13 : memref<2x3200xi32, #tpu.memory_space<vmem>>) target_semaphore(%arg16 : memref<!tpu.dma_semaphore, #tpu.memory_space<semaphore_mem>>)
    "tpu.region"() ({
      %run_scoped3A = tpu.sem_alloc : memref<!tpu.dma_semaphore, #tpu.memory_space<semaphore_mem>>
      tpu.enqueue_dma source(%arg5 : memref<100000xf32, #tpu.memory_space<hbm>>) target(%arg7 : memref<100000xf32, #tpu.memory_space<vmem>>) target_semaphore(%run_scoped3A : memref<!tpu.dma_semaphore, #tpu.memory_space<semaphore_mem>>)
      tpu.wait_dma2 semaphore(%run_scoped3A : memref<!tpu.dma_semaphore, #tpu.memory_space<semaphore_mem>>) src(%arg5 : memref<100000xf32, #tpu.memory_space<hbm>>) dst(%arg7 : memref<100000xf32, #tpu.memory_space<vmem>>)
      tpu.yield
    }) : () -> ()
    %broadcast_in_dim3A = arith.constant 0.000000e+00 : f32
    %broadcast_in_dim3A_49 = vector.broadcast %broadcast_in_dim3A : f32 to vector<16xf32>
    %while3A = arith.constant 0 : i32
    %while3A_50 = arith.subi %select_n3A, %while3A : i32
    %while3A_51 = arith.addi %while3A, %while3A_50 : i32
    %while3A_52 = arith.constant 1 : i32
    %while3A_53 = arith.divsi %while3A_50, %while3A_52 : i32
    %while3A_54 = arith.muli %while3A_53, %while3A_52 : i32
    %while3A_55 = arith.addi %while3A, %while3A_54 : i32
    %while3A_56 = arith.constant 1 : i32
    %while3A_57 = scf.for %while3A_88 = %while3A to %while3A_55 step %while3A_56 iter_args(%while3A_89 = %broadcast_in_dim3A_49) -> (vector<16xf32>)  : i32 {
      %mul3A_90 = arith.constant 32 : i32
      %mul3A_91 = arith.muli %while3A_88, %mul3A_90 : i32
      %add3A_92 = arith.addi %add3A, %mul3A_91 : i32
      %add3A_93 = arith.constant 1 : i32
      %add3A_94 = arith.addi %while3A_88, %add3A_93 : i32
      %rem3A_95 = arith.remsi %add3A_94, %select_n3A : i32
      %mul3A_96 = arith.constant 32 : i32
      %mul3A_97 = arith.muli %rem3A_95, %mul3A_96 : i32
      %add3A_98 = arith.addi %add3A, %mul3A_97 : i32
      %mul3A_99 = arith.constant 2 : i32
      %mul3A_100 = arith.muli %mul3A_99, %add3A_92 : i32
      %mul3A_101 = arith.constant 3200 : i32
      %mul3A_102 = arith.muli %mul3A_100, %mul3A_101 : i32
      %multiple_of3A_103 = tpu.assume_multiple %mul3A_102, 128 : i32
      %dma_wait3A_104 = tpu.memref_slice %arg2[%multiple_of3A_103] : memref<6400000xf32, #tpu.memory_space<hbm>> -> memref<3200xf32, #tpu.memory_space<hbm>>
      %dma_wait3A_105 = tpu.memref_slice %arg2[%multiple_of3A_103] : memref<6400000xf32, #tpu.memory_space<hbm>> -> memref<3200xf32, #tpu.memory_space<hbm>>
      tpu.wait_dma2 semaphore(%arg15 : memref<!tpu.dma_semaphore, #tpu.memory_space<semaphore_mem>>) src(%dma_wait3A_105 : memref<3200xf32, #tpu.memory_space<hbm>>) dst(%arg8 : memref<3200xf32, #tpu.memory_space<vmem>>)
      %dma_wait3A_106 = tpu.memref_slice %arg3[%multiple_of3A_103] : memref<6400000xi32, #tpu.memory_space<hbm>> -> memref<3200xi32, #tpu.memory_space<hbm>>
      %dma_wait3A_107 = tpu.memref_slice %arg3[%multiple_of3A_103] : memref<6400000xi32, #tpu.memory_space<hbm>> -> memref<3200xi32, #tpu.memory_space<hbm>>
      tpu.wait_dma2 semaphore(%arg15 : memref<!tpu.dma_semaphore, #tpu.memory_space<semaphore_mem>>) src(%dma_wait3A_107 : memref<3200xi32, #tpu.memory_space<hbm>>) dst(%arg10 : memref<3200xi32, #tpu.memory_space<vmem>>)
      %dma_wait3A_108 = arith.constant 0 : i32
      %dma_wait3A_109 = tpu.memref_slice %arg4[%dma_wait3A_108, %multiple_of3A_103] : memref<2x6400000xi32, #tpu.memory_space<hbm>> -> memref<2x3200xi32, #tpu.memory_space<hbm>>
      %dma_wait3A_110 = arith.constant 0 : i32
      %dma_wait3A_111 = tpu.memref_slice %arg4[%dma_wait3A_110, %multiple_of3A_103] : memref<2x6400000xi32, #tpu.memory_space<hbm>> -> memref<2x3200xi32, #tpu.memory_space<hbm>>
      tpu.wait_dma2 semaphore(%arg15 : memref<!tpu.dma_semaphore, #tpu.memory_space<semaphore_mem>>) src(%dma_wait3A_111 : memref<2x3200xi32, #tpu.memory_space<hbm>>) dst(%arg12 : memref<2x3200xi32, #tpu.memory_space<vmem>>)
      %parallel_loop3A = arith.constant 0 : i32
      %parallel_loop3A_112 = arith.constant 3200 : i32
      %parallel_loop3A_113 = arith.constant 16 : i32
      %parallel_loop3A_114 = scf.for %parallel_loop3A_162 = %parallel_loop3A to %parallel_loop3A_112 step %parallel_loop3A_113 iter_args(%parallel_loop3A_163 = %while3A_89) -> (vector<16xf32>)  : i32 {
        %parallel_loop3A_164 = arith.constant 0 : i32
        %parallel_loop3A_165 = arith.index_cast %parallel_loop3A_164 : i32 to index
        %parallel_loop3A_166 = arith.index_cast %parallel_loop3A_162 : i32 to index
        %parallel_loop3A_167 = tpu.vector_load %arg12[%parallel_loop3A_165, %parallel_loop3A_166] {strides = array<i32>} : memref<2x3200xi32, #tpu.memory_space<vmem>>, vector<16xi32>,
        %parallel_loop3A_168 = tpu.vector_load_idx %arg7[%parallel_loop3A_167] : memref<100000xf32, #tpu.memory_space<vmem>>[vector<16xi32>], vector<16xf32>,
        %parallel_loop3A_169 = arith.index_cast %parallel_loop3A_162 : i32 to index
        %parallel_loop3A_170 = tpu.vector_load %arg8[%parallel_loop3A_169] {strides = array<i32>} : memref<3200xf32, #tpu.memory_space<vmem>>, vector<16xf32>,
        %parallel_loop3A_171 = arith.index_cast %parallel_loop3A_162 : i32 to index
        %parallel_loop3A_172 = tpu.vector_load %arg10[%parallel_loop3A_171] {strides = array<i32>} : memref<3200xi32, #tpu.memory_space<vmem>>, vector<16xi32>,
        %parallel_loop3A_173 = arith.constant 0 : i32
        %parallel_loop3A_174 = vector.broadcast %parallel_loop3A_173 : i32 to vector<16xi32>
        %parallel_loop3A_175 = arith.cmpi ne, %parallel_loop3A_172, %parallel_loop3A_174 : vector<16xi32>
        %parallel_loop3A_176 = arith.constant 0.899999976 : f32
        %parallel_loop3A_177 = vector.broadcast %parallel_loop3A_176 : f32 to vector<16xf32>
        %parallel_loop3A_178 = arith.cmpf ogt, %parallel_loop3A_168, %parallel_loop3A_177 : vector<16xf32>
        %parallel_loop3A_179 = arith.andi %parallel_loop3A_175, %parallel_loop3A_178 : vector<16xi1>
        %parallel_loop3A_180 = arith.constant 1.000000e+00 : f32
        %parallel_loop3A_181 = vector.broadcast %parallel_loop3A_180 : f32 to vector<16xf32>
        %parallel_loop3A_182 = arith.subf %parallel_loop3A_181, %parallel_loop3A_170 : vector<16xf32>
        %parallel_loop3A_183 = arith.select %parallel_loop3A_179, %parallel_loop3A_170, %parallel_loop3A_182 : vector<16xi1>, vector<16xf32>
        %parallel_loop3A_184 = vector.bitcast %parallel_loop3A_183 : vector<16xf32> to vector<16xi32>
        %parallel_loop3A_185 = arith.constant 23 : i32
        %parallel_loop3A_186 = vector.broadcast %parallel_loop3A_185 : i32 to vector<16xi32>
        %parallel_loop3A_187 = arith.shrsi %parallel_loop3A_184, %parallel_loop3A_186 : vector<16xi32>
        %parallel_loop3A_188 = arith.constant 127 : i32
        %parallel_loop3A_189 = vector.broadcast %parallel_loop3A_188 : i32 to vector<16xi32>
        %parallel_loop3A_190 = arith.subi %parallel_loop3A_187, %parallel_loop3A_189 : vector<16xi32>
        %parallel_loop3A_191 = arith.constant 8388607 : i32
        %parallel_loop3A_192 = vector.broadcast %parallel_loop3A_191 : i32 to vector<16xi32>
        %parallel_loop3A_193 = arith.andi %parallel_loop3A_184, %parallel_loop3A_192 : vector<16xi32>
        %parallel_loop3A_194 = arith.constant 1065353216 : i32
        %parallel_loop3A_195 = vector.broadcast %parallel_loop3A_194 : i32 to vector<16xi32>
        %parallel_loop3A_196 = arith.ori %parallel_loop3A_193, %parallel_loop3A_195 : vector<16xi32>
        %parallel_loop3A_197 = vector.bitcast %parallel_loop3A_196 : vector<16xi32> to vector<16xf32>
        %parallel_loop3A_198 = arith.constant 1.000000e+00 : f32
        %parallel_loop3A_199 = vector.broadcast %parallel_loop3A_198 : f32 to vector<16xf32>
        %parallel_loop3A_200 = arith.subf %parallel_loop3A_197, %parallel_loop3A_199 : vector<16xf32>
        %parallel_loop3A_201 = arith.constant -0.00615147082 : f32
        %parallel_loop3A_202 = vector.broadcast %parallel_loop3A_201 : f32 to vector<16xf32>
        %parallel_loop3A_203 = arith.mulf %parallel_loop3A_200, %parallel_loop3A_202 : vector<16xf32>
        %parallel_loop3A_204 = arith.constant 0.0348497108 : f32
        %parallel_loop3A_205 = vector.broadcast %parallel_loop3A_204 : f32 to vector<16xf32>
        %parallel_loop3A_206 = arith.addf %parallel_loop3A_205, %parallel_loop3A_203 : vector<16xf32>
        %parallel_loop3A_207 = arith.mulf %parallel_loop3A_200, %parallel_loop3A_206 : vector<16xf32>
        %parallel_loop3A_208 = arith.constant -0.0932520404 : f32
        %parallel_loop3A_209 = vector.broadcast %parallel_loop3A_208 : f32 to vector<16xf32>
        %parallel_loop3A_210 = arith.addf %parallel_loop3A_209, %parallel_loop3A_207 : vector<16xf32>
        %parallel_loop3A_211 = arith.mulf %parallel_loop3A_200, %parallel_loop3A_210 : vector<16xf32>
        %parallel_loop3A_212 = arith.constant 0.165822759 : f32
        %parallel_loop3A_213 = vector.broadcast %parallel_loop3A_212 : f32 to vector<16xf32>
        %parallel_loop3A_214 = arith.addf %parallel_loop3A_213, %parallel_loop3A_211 : vector<16xf32>
        %parallel_loop3A_215 = arith.mulf %parallel_loop3A_200, %parallel_loop3A_214 : vector<16xf32>
        %parallel_loop3A_216 = arith.constant -0.239826158 : f32
        %parallel_loop3A_217 = vector.broadcast %parallel_loop3A_216 : f32 to vector<16xf32>
        %parallel_loop3A_218 = arith.addf %parallel_loop3A_217, %parallel_loop3A_215 : vector<16xf32>
        %parallel_loop3A_219 = arith.mulf %parallel_loop3A_200, %parallel_loop3A_218 : vector<16xf32>
        %parallel_loop3A_220 = arith.constant 0.331548631 : f32
        %parallel_loop3A_221 = vector.broadcast %parallel_loop3A_220 : f32 to vector<16xf32>
        %parallel_loop3A_222 = arith.addf %parallel_loop3A_221, %parallel_loop3A_219 : vector<16xf32>
        %parallel_loop3A_223 = arith.mulf %parallel_loop3A_200, %parallel_loop3A_222 : vector<16xf32>
        %parallel_loop3A_224 = arith.constant -0.499838561 : f32
        %parallel_loop3A_225 = vector.broadcast %parallel_loop3A_224 : f32 to vector<16xf32>
        %parallel_loop3A_226 = arith.addf %parallel_loop3A_225, %parallel_loop3A_223 : vector<16xf32>
        %parallel_loop3A_227 = arith.mulf %parallel_loop3A_200, %parallel_loop3A_226 : vector<16xf32>
        %parallel_loop3A_228 = arith.constant 0.999994277 : f32
        %parallel_loop3A_229 = vector.broadcast %parallel_loop3A_228 : f32 to vector<16xf32>
        %parallel_loop3A_230 = arith.addf %parallel_loop3A_229, %parallel_loop3A_227 : vector<16xf32>
        %parallel_loop3A_231 = arith.mulf %parallel_loop3A_200, %parallel_loop3A_230 : vector<16xf32>
        %parallel_loop3A_232 = arith.constant 3.38696537E-8 : f32
        %parallel_loop3A_233 = vector.broadcast %parallel_loop3A_232 : f32 to vector<16xf32>
        %parallel_loop3A_234 = arith.addf %parallel_loop3A_233, %parallel_loop3A_231 : vector<16xf32>
        %parallel_loop3A_235 = arith.sitofp %parallel_loop3A_190 : vector<16xi32> to vector<16xf32>
        %parallel_loop3A_236 = arith.constant 0.693147182 : f32
        %parallel_loop3A_237 = vector.broadcast %parallel_loop3A_236 : f32 to vector<16xf32>
        %parallel_loop3A_238 = arith.mulf %parallel_loop3A_235, %parallel_loop3A_237 : vector<16xf32>
        %parallel_loop3A_239 = arith.addf %parallel_loop3A_234, %parallel_loop3A_238 : vector<16xf32>
        %parallel_loop3A_240 = arith.subf %parallel_loop3A_163, %parallel_loop3A_239 : vector<16xf32>
        scf.yield %parallel_loop3A_240 : vector<16xf32>
      } {sc.loop_unroll_factor = 8 : i64, sc.parallel_access}
      %mul3A_115 = arith.constant 2 : i32
      %mul3A_116 = arith.muli %mul3A_115, %add3A_98 : i32
      %mul3A_117 = arith.constant 3200 : i32
      %mul3A_118 = arith.muli %mul3A_116, %mul3A_117 : i32
      %multiple_of3A_119 = tpu.assume_multiple %mul3A_118, 128 : i32
      %dma_start3A_120 = tpu.memref_slice %arg2[%multiple_of3A_119] : memref<6400000xf32, #tpu.memory_space<hbm>> -> memref<3200xf32, #tpu.memory_space<hbm>>
      %dma_start3A_121 = tpu.memref_slice %arg2[%multiple_of3A_119] : memref<6400000xf32, #tpu.memory_space<hbm>> -> memref<3200xf32, #tpu.memory_space<hbm>>
      tpu.enqueue_dma source(%dma_start3A_121 : memref<3200xf32, #tpu.memory_space<hbm>>) target(%arg8 : memref<3200xf32, #tpu.memory_space<vmem>>) target_semaphore(%arg15 : memref<!tpu.dma_semaphore, #tpu.memory_space<semaphore_mem>>)
      %dma_start3A_122 = tpu.memref_slice %arg3[%multiple_of3A_119] : memref<6400000xi32, #tpu.memory_space<hbm>> -> memref<3200xi32, #tpu.memory_space<hbm>>
      %dma_start3A_123 = tpu.memref_slice %arg3[%multiple_of3A_119] : memref<6400000xi32, #tpu.memory_space<hbm>> -> memref<3200xi32, #tpu.memory_space<hbm>>
      tpu.enqueue_dma source(%dma_start3A_123 : memref<3200xi32, #tpu.memory_space<hbm>>) target(%arg10 : memref<3200xi32, #tpu.memory_space<vmem>>) target_semaphore(%arg15 : memref<!tpu.dma_semaphore, #tpu.memory_space<semaphore_mem>>)
      %dma_start3A_124 = arith.constant 0 : i32
      %dma_start3A_125 = tpu.memref_slice %arg4[%dma_start3A_124, %multiple_of3A_119] : memref<2x6400000xi32, #tpu.memory_space<hbm>> -> memref<2x3200xi32, #tpu.memory_space<hbm>>
      %dma_start3A_126 = arith.constant 0 : i32
      %dma_start3A_127 = tpu.memref_slice %arg4[%dma_start3A_126, %multiple_of3A_119] : memref<2x6400000xi32, #tpu.memory_space<hbm>> -> memref<2x3200xi32, #tpu.memory_space<hbm>>
      tpu.enqueue_dma source(%dma_start3A_127 : memref<2x3200xi32, #tpu.memory_space<hbm>>) target(%arg12 : memref<2x3200xi32, #tpu.memory_space<vmem>>) target_semaphore(%arg15 : memref<!tpu.dma_semaphore, #tpu.memory_space<semaphore_mem>>)
      %mul3A_128 = arith.constant 2 : i32
      %mul3A_129 = arith.muli %mul3A_128, %add3A_92 : i32
      %add3A_130 = arith.constant 1 : i32
      %add3A_131 = arith.addi %mul3A_129, %add3A_130 : i32
      %mul3A_132 = arith.constant 3200 : i32
      %mul3A_133 = arith.muli %add3A_131, %mul3A_132 : i32
      %multiple_of3A_134 = tpu.assume_multiple %mul3A_133, 128 : i32
      %dma_wait3A_135 = tpu.memref_slice %arg2[%multiple_of3A_134] : memref<6400000xf32, #tpu.memory_space<hbm>> -> memref<3200xf32, #tpu.memory_space<hbm>>
      %dma_wait3A_136 = tpu.memref_slice %arg2[%multiple_of3A_134] : memref<6400000xf32, #tpu.memory_space<hbm>> -> memref<3200xf32, #tpu.memory_space<hbm>>
      tpu.wait_dma2 semaphore(%arg16 : memref<!tpu.dma_semaphore, #tpu.memory_space<semaphore_mem>>) src(%dma_wait3A_136 : memref<3200xf32, #tpu.memory_space<hbm>>) dst(%arg9 : memref<3200xf32, #tpu.memory_space<vmem>>)
      %dma_wait3A_137 = tpu.memref_slice %arg3[%multiple_of3A_134] : memref<6400000xi32, #tpu.memory_space<hbm>> -> memref<3200xi32, #tpu.memory_space<hbm>>
      %dma_wait3A_138 = tpu.memref_slice %arg3[%multiple_of3A_134] : memref<6400000xi32, #tpu.memory_space<hbm>> -> memref<3200xi32, #tpu.memory_space<hbm>>
      tpu.wait_dma2 semaphore(%arg16 : memref<!tpu.dma_semaphore, #tpu.memory_space<semaphore_mem>>) src(%dma_wait3A_138 : memref<3200xi32, #tpu.memory_space<hbm>>) dst(%arg11 : memref<3200xi32, #tpu.memory_space<vmem>>)
      %dma_wait3A_139 = arith.constant 0 : i32
      %dma_wait3A_140 = tpu.memref_slice %arg4[%dma_wait3A_139, %multiple_of3A_134] : memref<2x6400000xi32, #tpu.memory_space<hbm>> -> memref<2x3200xi32, #tpu.memory_space<hbm>>
      %dma_wait3A_141 = arith.constant 0 : i32
      %dma_wait3A_142 = tpu.memref_slice %arg4[%dma_wait3A_141, %multiple_of3A_134] : memref<2x6400000xi32, #tpu.memory_space<hbm>> -> memref<2x3200xi32, #tpu.memory_space<hbm>>
      tpu.wait_dma2 semaphore(%arg16 : memref<!tpu.dma_semaphore, #tpu.memory_space<semaphore_mem>>) src(%dma_wait3A_142 : memref<2x3200xi32, #tpu.memory_space<hbm>>) dst(%arg13 : memref<2x3200xi32, #tpu.memory_space<vmem>>)
      %parallel_loop3A_143 = arith.constant 0 : i32
      %parallel_loop3A_144 = arith.constant 3200 : i32
      %parallel_loop3A_145 = arith.constant 16 : i32
      %parallel_loop3A_146 = scf.for %parallel_loop3A_162 = %parallel_loop3A_143 to %parallel_loop3A_144 step %parallel_loop3A_145 iter_args(%parallel_loop3A_163 = %parallel_loop3A_114) -> (vector<16xf32>)  : i32 {
        %parallel_loop3A_164 = arith.constant 0 : i32
        %parallel_loop3A_165 = arith.index_cast %parallel_loop3A_164 : i32 to index
        %parallel_loop3A_166 = arith.index_cast %parallel_loop3A_162 : i32 to index
        %parallel_loop3A_167 = tpu.vector_load %arg13[%parallel_loop3A_165, %parallel_loop3A_166] {strides = array<i32>} : memref<2x3200xi32, #tpu.memory_space<vmem>>, vector<16xi32>,
        %parallel_loop3A_168 = tpu.vector_load_idx %arg7[%parallel_loop3A_167] : memref<100000xf32, #tpu.memory_space<vmem>>[vector<16xi32>], vector<16xf32>,
        %parallel_loop3A_169 = arith.index_cast %parallel_loop3A_162 : i32 to index
        %parallel_loop3A_170 = tpu.vector_load %arg9[%parallel_loop3A_169] {strides = array<i32>} : memref<3200xf32, #tpu.memory_space<vmem>>, vector<16xf32>,
        %parallel_loop3A_171 = arith.index_cast %parallel_loop3A_162 : i32 to index
        %parallel_loop3A_172 = tpu.vector_load %arg11[%parallel_loop3A_171] {strides = array<i32>} : memref<3200xi32, #tpu.memory_space<vmem>>, vector<16xi32>,
        %parallel_loop3A_173 = arith.constant 0 : i32
        %parallel_loop3A_174 = vector.broadcast %parallel_loop3A_173 : i32 to vector<16xi32>
        %parallel_loop3A_175 = arith.cmpi ne, %parallel_loop3A_172, %parallel_loop3A_174 : vector<16xi32>
        %parallel_loop3A_176 = arith.constant 0.899999976 : f32
        %parallel_loop3A_177 = vector.broadcast %parallel_loop3A_176 : f32 to vector<16xf32>
        %parallel_loop3A_178 = arith.cmpf ogt, %parallel_loop3A_168, %parallel_loop3A_177 : vector<16xf32>
        %parallel_loop3A_179 = arith.andi %parallel_loop3A_175, %parallel_loop3A_178 : vector<16xi1>
        %parallel_loop3A_180 = arith.constant 1.000000e+00 : f32
        %parallel_loop3A_181 = vector.broadcast %parallel_loop3A_180 : f32 to vector<16xf32>
        %parallel_loop3A_182 = arith.subf %parallel_loop3A_181, %parallel_loop3A_170 : vector<16xf32>
        %parallel_loop3A_183 = arith.select %parallel_loop3A_179, %parallel_loop3A_170, %parallel_loop3A_182 : vector<16xi1>, vector<16xf32>
        %parallel_loop3A_184 = vector.bitcast %parallel_loop3A_183 : vector<16xf32> to vector<16xi32>
        %parallel_loop3A_185 = arith.constant 23 : i32
        %parallel_loop3A_186 = vector.broadcast %parallel_loop3A_185 : i32 to vector<16xi32>
        %parallel_loop3A_187 = arith.shrsi %parallel_loop3A_184, %parallel_loop3A_186 : vector<16xi32>
        %parallel_loop3A_188 = arith.constant 127 : i32
        %parallel_loop3A_189 = vector.broadcast %parallel_loop3A_188 : i32 to vector<16xi32>
        %parallel_loop3A_190 = arith.subi %parallel_loop3A_187, %parallel_loop3A_189 : vector<16xi32>
        %parallel_loop3A_191 = arith.constant 8388607 : i32
        %parallel_loop3A_192 = vector.broadcast %parallel_loop3A_191 : i32 to vector<16xi32>
        %parallel_loop3A_193 = arith.andi %parallel_loop3A_184, %parallel_loop3A_192 : vector<16xi32>
        %parallel_loop3A_194 = arith.constant 1065353216 : i32
        %parallel_loop3A_195 = vector.broadcast %parallel_loop3A_194 : i32 to vector<16xi32>
        %parallel_loop3A_196 = arith.ori %parallel_loop3A_193, %parallel_loop3A_195 : vector<16xi32>
        %parallel_loop3A_197 = vector.bitcast %parallel_loop3A_196 : vector<16xi32> to vector<16xf32>
        %parallel_loop3A_198 = arith.constant 1.000000e+00 : f32
        %parallel_loop3A_199 = vector.broadcast %parallel_loop3A_198 : f32 to vector<16xf32>
        %parallel_loop3A_200 = arith.subf %parallel_loop3A_197, %parallel_loop3A_199 : vector<16xf32>
        %parallel_loop3A_201 = arith.constant -0.00615147082 : f32
        %parallel_loop3A_202 = vector.broadcast %parallel_loop3A_201 : f32 to vector<16xf32>
        %parallel_loop3A_203 = arith.mulf %parallel_loop3A_200, %parallel_loop3A_202 : vector<16xf32>
        %parallel_loop3A_204 = arith.constant 0.0348497108 : f32
        %parallel_loop3A_205 = vector.broadcast %parallel_loop3A_204 : f32 to vector<16xf32>
        %parallel_loop3A_206 = arith.addf %parallel_loop3A_205, %parallel_loop3A_203 : vector<16xf32>
        %parallel_loop3A_207 = arith.mulf %parallel_loop3A_200, %parallel_loop3A_206 : vector<16xf32>
        %parallel_loop3A_208 = arith.constant -0.0932520404 : f32
        %parallel_loop3A_209 = vector.broadcast %parallel_loop3A_208 : f32 to vector<16xf32>
        %parallel_loop3A_210 = arith.addf %parallel_loop3A_209, %parallel_loop3A_207 : vector<16xf32>
        %parallel_loop3A_211 = arith.mulf %parallel_loop3A_200, %parallel_loop3A_210 : vector<16xf32>
        %parallel_loop3A_212 = arith.constant 0.165822759 : f32
        %parallel_loop3A_213 = vector.broadcast %parallel_loop3A_212 : f32 to vector<16xf32>
        %parallel_loop3A_214 = arith.addf %parallel_loop3A_213, %parallel_loop3A_211 : vector<16xf32>
        %parallel_loop3A_215 = arith.mulf %parallel_loop3A_200, %parallel_loop3A_214 : vector<16xf32>
        %parallel_loop3A_216 = arith.constant -0.239826158 : f32
        %parallel_loop3A_217 = vector.broadcast %parallel_loop3A_216 : f32 to vector<16xf32>
        %parallel_loop3A_218 = arith.addf %parallel_loop3A_217, %parallel_loop3A_215 : vector<16xf32>
        %parallel_loop3A_219 = arith.mulf %parallel_loop3A_200, %parallel_loop3A_218 : vector<16xf32>
        %parallel_loop3A_220 = arith.constant 0.331548631 : f32
        %parallel_loop3A_221 = vector.broadcast %parallel_loop3A_220 : f32 to vector<16xf32>
        %parallel_loop3A_222 = arith.addf %parallel_loop3A_221, %parallel_loop3A_219 : vector<16xf32>
        %parallel_loop3A_223 = arith.mulf %parallel_loop3A_200, %parallel_loop3A_222 : vector<16xf32>
        %parallel_loop3A_224 = arith.constant -0.499838561 : f32
        %parallel_loop3A_225 = vector.broadcast %parallel_loop3A_224 : f32 to vector<16xf32>
        %parallel_loop3A_226 = arith.addf %parallel_loop3A_225, %parallel_loop3A_223 : vector<16xf32>
        %parallel_loop3A_227 = arith.mulf %parallel_loop3A_200, %parallel_loop3A_226 : vector<16xf32>
        %parallel_loop3A_228 = arith.constant 0.999994277 : f32
        %parallel_loop3A_229 = vector.broadcast %parallel_loop3A_228 : f32 to vector<16xf32>
        %parallel_loop3A_230 = arith.addf %parallel_loop3A_229, %parallel_loop3A_227 : vector<16xf32>
        %parallel_loop3A_231 = arith.mulf %parallel_loop3A_200, %parallel_loop3A_230 : vector<16xf32>
        %parallel_loop3A_232 = arith.constant 3.38696537E-8 : f32
        %parallel_loop3A_233 = vector.broadcast %parallel_loop3A_232 : f32 to vector<16xf32>
        %parallel_loop3A_234 = arith.addf %parallel_loop3A_233, %parallel_loop3A_231 : vector<16xf32>
        %parallel_loop3A_235 = arith.sitofp %parallel_loop3A_190 : vector<16xi32> to vector<16xf32>
        %parallel_loop3A_236 = arith.constant 0.693147182 : f32
        %parallel_loop3A_237 = vector.broadcast %parallel_loop3A_236 : f32 to vector<16xf32>
        %parallel_loop3A_238 = arith.mulf %parallel_loop3A_235, %parallel_loop3A_237 : vector<16xf32>
        %parallel_loop3A_239 = arith.addf %parallel_loop3A_234, %parallel_loop3A_238 : vector<16xf32>
        %parallel_loop3A_240 = arith.subf %parallel_loop3A_163, %parallel_loop3A_239 : vector<16xf32>
        scf.yield %parallel_loop3A_240 : vector<16xf32>
      } {sc.loop_unroll_factor = 8 : i64, sc.parallel_access}
      %mul3A_147 = arith.constant 2 : i32
      %mul3A_148 = arith.muli %mul3A_147, %add3A_98 : i32
      %add3A_149 = arith.constant 1 : i32
      %add3A_150 = arith.addi %mul3A_148, %add3A_149 : i32
      %mul3A_151 = arith.constant 3200 : i32
      %mul3A_152 = arith.muli %add3A_150, %mul3A_151 : i32
      %multiple_of3A_153 = tpu.assume_multiple %mul3A_152, 128 : i32
      %dma_start3A_154 = tpu.memref_slice %arg2[%multiple_of3A_153] : memref<6400000xf32, #tpu.memory_space<hbm>> -> memref<3200xf32, #tpu.memory_space<hbm>>
      %dma_start3A_155 = tpu.memref_slice %arg2[%multiple_of3A_153] : memref<6400000xf32, #tpu.memory_space<hbm>> -> memref<3200xf32, #tpu.memory_space<hbm>>
      tpu.enqueue_dma source(%dma_start3A_155 : memref<3200xf32, #tpu.memory_space<hbm>>) target(%arg9 : memref<3200xf32, #tpu.memory_space<vmem>>) target_semaphore(%arg16 : memref<!tpu.dma_semaphore, #tpu.memory_space<semaphore_mem>>)
      %dma_start3A_156 = tpu.memref_slice %arg3[%multiple_of3A_153] : memref<6400000xi32, #tpu.memory_space<hbm>> -> memref<3200xi32, #tpu.memory_space<hbm>>
      %dma_start3A_157 = tpu.memref_slice %arg3[%multiple_of3A_153] : memref<6400000xi32, #tpu.memory_space<hbm>> -> memref<3200xi32, #tpu.memory_space<hbm>>
      tpu.enqueue_dma source(%dma_start3A_157 : memref<3200xi32, #tpu.memory_space<hbm>>) target(%arg11 : memref<3200xi32, #tpu.memory_space<vmem>>) target_semaphore(%arg16 : memref<!tpu.dma_semaphore, #tpu.memory_space<semaphore_mem>>)
      %dma_start3A_158 = arith.constant 0 : i32
      %dma_start3A_159 = tpu.memref_slice %arg4[%dma_start3A_158, %multiple_of3A_153] : memref<2x6400000xi32, #tpu.memory_space<hbm>> -> memref<2x3200xi32, #tpu.memory_space<hbm>>
      %dma_start3A_160 = arith.constant 0 : i32
      %dma_start3A_161 = tpu.memref_slice %arg4[%dma_start3A_160, %multiple_of3A_153] : memref<2x6400000xi32, #tpu.memory_space<hbm>> -> memref<2x3200xi32, #tpu.memory_space<hbm>>
      tpu.enqueue_dma source(%dma_start3A_161 : memref<2x3200xi32, #tpu.memory_space<hbm>>) target(%arg13 : memref<2x3200xi32, #tpu.memory_space<vmem>>) target_semaphore(%arg16 : memref<!tpu.dma_semaphore, #tpu.memory_space<semaphore_mem>>)
      scf.yield %parallel_loop3A_146 : vector<16xf32>
    }
    %while3A_58 = arith.constant 1 : i32
    %while3A_59 = scf.for %while3A_88 = %while3A_55 to %while3A_51 step %while3A_58 iter_args(%while3A_89 = %while3A_57) -> (vector<16xf32>)  : i32 {
      %mul3A_90 = arith.constant 32 : i32
      %mul3A_91 = arith.muli %while3A_88, %mul3A_90 : i32
      %add3A_92 = arith.addi %add3A, %mul3A_91 : i32
      %add3A_93 = arith.constant 1 : i32
      %add3A_94 = arith.addi %while3A_88, %add3A_93 : i32
      %rem3A_95 = arith.remsi %add3A_94, %select_n3A : i32
      %mul3A_96 = arith.constant 32 : i32
      %mul3A_97 = arith.muli %rem3A_95, %mul3A_96 : i32
      %add3A_98 = arith.addi %add3A, %mul3A_97 : i32
      %mul3A_99 = arith.constant 2 : i32
      %mul3A_100 = arith.muli %mul3A_99, %add3A_92 : i32
      %mul3A_101 = arith.constant 3200 : i32
      %mul3A_102 = arith.muli %mul3A_100, %mul3A_101 : i32
      %multiple_of3A_103 = tpu.assume_multiple %mul3A_102, 128 : i32
      %dma_wait3A_104 = tpu.memref_slice %arg2[%multiple_of3A_103] : memref<6400000xf32, #tpu.memory_space<hbm>> -> memref<3200xf32, #tpu.memory_space<hbm>>
      %dma_wait3A_105 = tpu.memref_slice %arg2[%multiple_of3A_103] : memref<6400000xf32, #tpu.memory_space<hbm>> -> memref<3200xf32, #tpu.memory_space<hbm>>
      tpu.wait_dma2 semaphore(%arg15 : memref<!tpu.dma_semaphore, #tpu.memory_space<semaphore_mem>>) src(%dma_wait3A_105 : memref<3200xf32, #tpu.memory_space<hbm>>) dst(%arg8 : memref<3200xf32, #tpu.memory_space<vmem>>)
      %dma_wait3A_106 = tpu.memref_slice %arg3[%multiple_of3A_103] : memref<6400000xi32, #tpu.memory_space<hbm>> -> memref<3200xi32, #tpu.memory_space<hbm>>
      %dma_wait3A_107 = tpu.memref_slice %arg3[%multiple_of3A_103] : memref<6400000xi32, #tpu.memory_space<hbm>> -> memref<3200xi32, #tpu.memory_space<hbm>>
      tpu.wait_dma2 semaphore(%arg15 : memref<!tpu.dma_semaphore, #tpu.memory_space<semaphore_mem>>) src(%dma_wait3A_107 : memref<3200xi32, #tpu.memory_space<hbm>>) dst(%arg10 : memref<3200xi32, #tpu.memory_space<vmem>>)
      %dma_wait3A_108 = arith.constant 0 : i32
      %dma_wait3A_109 = tpu.memref_slice %arg4[%dma_wait3A_108, %multiple_of3A_103] : memref<2x6400000xi32, #tpu.memory_space<hbm>> -> memref<2x3200xi32, #tpu.memory_space<hbm>>
      %dma_wait3A_110 = arith.constant 0 : i32
      %dma_wait3A_111 = tpu.memref_slice %arg4[%dma_wait3A_110, %multiple_of3A_103] : memref<2x6400000xi32, #tpu.memory_space<hbm>> -> memref<2x3200xi32, #tpu.memory_space<hbm>>
      tpu.wait_dma2 semaphore(%arg15 : memref<!tpu.dma_semaphore, #tpu.memory_space<semaphore_mem>>) src(%dma_wait3A_111 : memref<2x3200xi32, #tpu.memory_space<hbm>>) dst(%arg12 : memref<2x3200xi32, #tpu.memory_space<vmem>>)
      %parallel_loop3A = arith.constant 0 : i32
      %parallel_loop3A_112 = arith.constant 3200 : i32
      %parallel_loop3A_113 = arith.constant 16 : i32
      %parallel_loop3A_114 = scf.for %parallel_loop3A_162 = %parallel_loop3A to %parallel_loop3A_112 step %parallel_loop3A_113 iter_args(%parallel_loop3A_163 = %while3A_89) -> (vector<16xf32>)  : i32 {
        %parallel_loop3A_164 = arith.constant 0 : i32
        %parallel_loop3A_165 = arith.index_cast %parallel_loop3A_164 : i32 to index
        %parallel_loop3A_166 = arith.index_cast %parallel_loop3A_162 : i32 to index
        %parallel_loop3A_167 = tpu.vector_load %arg12[%parallel_loop3A_165, %parallel_loop3A_166] {strides = array<i32>} : memref<2x3200xi32, #tpu.memory_space<vmem>>, vector<16xi32>,
        %parallel_loop3A_168 = tpu.vector_load_idx %arg7[%parallel_loop3A_167] : memref<100000xf32, #tpu.memory_space<vmem>>[vector<16xi32>], vector<16xf32>,
        %parallel_loop3A_169 = arith.index_cast %parallel_loop3A_162 : i32 to index
        %parallel_loop3A_170 = tpu.vector_load %arg8[%parallel_loop3A_169] {strides = array<i32>} : memref<3200xf32, #tpu.memory_space<vmem>>, vector<16xf32>,
        %parallel_loop3A_171 = arith.index_cast %parallel_loop3A_162 : i32 to index
        %parallel_loop3A_172 = tpu.vector_load %arg10[%parallel_loop3A_171] {strides = array<i32>} : memref<3200xi32, #tpu.memory_space<vmem>>, vector<16xi32>,
        %parallel_loop3A_173 = arith.constant 0 : i32
        %parallel_loop3A_174 = vector.broadcast %parallel_loop3A_173 : i32 to vector<16xi32>
        %parallel_loop3A_175 = arith.cmpi ne, %parallel_loop3A_172, %parallel_loop3A_174 : vector<16xi32>
        %parallel_loop3A_176 = arith.constant 0.899999976 : f32
        %parallel_loop3A_177 = vector.broadcast %parallel_loop3A_176 : f32 to vector<16xf32>
        %parallel_loop3A_178 = arith.cmpf ogt, %parallel_loop3A_168, %parallel_loop3A_177 : vector<16xf32>
        %parallel_loop3A_179 = arith.andi %parallel_loop3A_175, %parallel_loop3A_178 : vector<16xi1>
        %parallel_loop3A_180 = arith.constant 1.000000e+00 : f32
        %parallel_loop3A_181 = vector.broadcast %parallel_loop3A_180 : f32 to vector<16xf32>
        %parallel_loop3A_182 = arith.subf %parallel_loop3A_181, %parallel_loop3A_170 : vector<16xf32>
        %parallel_loop3A_183 = arith.select %parallel_loop3A_179, %parallel_loop3A_170, %parallel_loop3A_182 : vector<16xi1>, vector<16xf32>
        %parallel_loop3A_184 = vector.bitcast %parallel_loop3A_183 : vector<16xf32> to vector<16xi32>
        %parallel_loop3A_185 = arith.constant 23 : i32
        %parallel_loop3A_186 = vector.broadcast %parallel_loop3A_185 : i32 to vector<16xi32>
        %parallel_loop3A_187 = arith.shrsi %parallel_loop3A_184, %parallel_loop3A_186 : vector<16xi32>
        %parallel_loop3A_188 = arith.constant 127 : i32
        %parallel_loop3A_189 = vector.broadcast %parallel_loop3A_188 : i32 to vector<16xi32>
        %parallel_loop3A_190 = arith.subi %parallel_loop3A_187, %parallel_loop3A_189 : vector<16xi32>
        %parallel_loop3A_191 = arith.constant 8388607 : i32
        %parallel_loop3A_192 = vector.broadcast %parallel_loop3A_191 : i32 to vector<16xi32>
        %parallel_loop3A_193 = arith.andi %parallel_loop3A_184, %parallel_loop3A_192 : vector<16xi32>
        %parallel_loop3A_194 = arith.constant 1065353216 : i32
        %parallel_loop3A_195 = vector.broadcast %parallel_loop3A_194 : i32 to vector<16xi32>
        %parallel_loop3A_196 = arith.ori %parallel_loop3A_193, %parallel_loop3A_195 : vector<16xi32>
        %parallel_loop3A_197 = vector.bitcast %parallel_loop3A_196 : vector<16xi32> to vector<16xf32>
        %parallel_loop3A_198 = arith.constant 1.000000e+00 : f32
        %parallel_loop3A_199 = vector.broadcast %parallel_loop3A_198 : f32 to vector<16xf32>
        %parallel_loop3A_200 = arith.subf %parallel_loop3A_197, %parallel_loop3A_199 : vector<16xf32>
        %parallel_loop3A_201 = arith.constant -0.00615147082 : f32
        %parallel_loop3A_202 = vector.broadcast %parallel_loop3A_201 : f32 to vector<16xf32>
        %parallel_loop3A_203 = arith.mulf %parallel_loop3A_200, %parallel_loop3A_202 : vector<16xf32>
        %parallel_loop3A_204 = arith.constant 0.0348497108 : f32
        %parallel_loop3A_205 = vector.broadcast %parallel_loop3A_204 : f32 to vector<16xf32>
        %parallel_loop3A_206 = arith.addf %parallel_loop3A_205, %parallel_loop3A_203 : vector<16xf32>
        %parallel_loop3A_207 = arith.mulf %parallel_loop3A_200, %parallel_loop3A_206 : vector<16xf32>
        %parallel_loop3A_208 = arith.constant -0.0932520404 : f32
        %parallel_loop3A_209 = vector.broadcast %parallel_loop3A_208 : f32 to vector<16xf32>
        %parallel_loop3A_210 = arith.addf %parallel_loop3A_209, %parallel_loop3A_207 : vector<16xf32>
        %parallel_loop3A_211 = arith.mulf %parallel_loop3A_200, %parallel_loop3A_210 : vector<16xf32>
        %parallel_loop3A_212 = arith.constant 0.165822759 : f32
        %parallel_loop3A_213 = vector.broadcast %parallel_loop3A_212 : f32 to vector<16xf32>
        %parallel_loop3A_214 = arith.addf %parallel_loop3A_213, %parallel_loop3A_211 : vector<16xf32>
        %parallel_loop3A_215 = arith.mulf %parallel_loop3A_200, %parallel_loop3A_214 : vector<16xf32>
        %parallel_loop3A_216 = arith.constant -0.239826158 : f32
        %parallel_loop3A_217 = vector.broadcast %parallel_loop3A_216 : f32 to vector<16xf32>
        %parallel_loop3A_218 = arith.addf %parallel_loop3A_217, %parallel_loop3A_215 : vector<16xf32>
        %parallel_loop3A_219 = arith.mulf %parallel_loop3A_200, %parallel_loop3A_218 : vector<16xf32>
        %parallel_loop3A_220 = arith.constant 0.331548631 : f32
        %parallel_loop3A_221 = vector.broadcast %parallel_loop3A_220 : f32 to vector<16xf32>
        %parallel_loop3A_222 = arith.addf %parallel_loop3A_221, %parallel_loop3A_219 : vector<16xf32>
        %parallel_loop3A_223 = arith.mulf %parallel_loop3A_200, %parallel_loop3A_222 : vector<16xf32>
        %parallel_loop3A_224 = arith.constant -0.499838561 : f32
        %parallel_loop3A_225 = vector.broadcast %parallel_loop3A_224 : f32 to vector<16xf32>
        %parallel_loop3A_226 = arith.addf %parallel_loop3A_225, %parallel_loop3A_223 : vector<16xf32>
        %parallel_loop3A_227 = arith.mulf %parallel_loop3A_200, %parallel_loop3A_226 : vector<16xf32>
        %parallel_loop3A_228 = arith.constant 0.999994277 : f32
        %parallel_loop3A_229 = vector.broadcast %parallel_loop3A_228 : f32 to vector<16xf32>
        %parallel_loop3A_230 = arith.addf %parallel_loop3A_229, %parallel_loop3A_227 : vector<16xf32>
        %parallel_loop3A_231 = arith.mulf %parallel_loop3A_200, %parallel_loop3A_230 : vector<16xf32>
        %parallel_loop3A_232 = arith.constant 3.38696537E-8 : f32
        %parallel_loop3A_233 = vector.broadcast %parallel_loop3A_232 : f32 to vector<16xf32>
        %parallel_loop3A_234 = arith.addf %parallel_loop3A_233, %parallel_loop3A_231 : vector<16xf32>
        %parallel_loop3A_235 = arith.sitofp %parallel_loop3A_190 : vector<16xi32> to vector<16xf32>
        %parallel_loop3A_236 = arith.constant 0.693147182 : f32
        %parallel_loop3A_237 = vector.broadcast %parallel_loop3A_236 : f32 to vector<16xf32>
        %parallel_loop3A_238 = arith.mulf %parallel_loop3A_235, %parallel_loop3A_237 : vector<16xf32>
        %parallel_loop3A_239 = arith.addf %parallel_loop3A_234, %parallel_loop3A_238 : vector<16xf32>
        %parallel_loop3A_240 = arith.subf %parallel_loop3A_163, %parallel_loop3A_239 : vector<16xf32>
        scf.yield %parallel_loop3A_240 : vector<16xf32>
      } {sc.loop_unroll_factor = 8 : i64, sc.parallel_access}
      %mul3A_115 = arith.constant 2 : i32
      %mul3A_116 = arith.muli %mul3A_115, %add3A_98 : i32
      %mul3A_117 = arith.constant 3200 : i32
      %mul3A_118 = arith.muli %mul3A_116, %mul3A_117 : i32
      %multiple_of3A_119 = tpu.assume_multiple %mul3A_118, 128 : i32
      %dma_start3A_120 = tpu.memref_slice %arg2[%multiple_of3A_119] : memref<6400000xf32, #tpu.memory_space<hbm>> -> memref<3200xf32, #tpu.memory_space<hbm>>
      %dma_start3A_121 = tpu.memref_slice %arg2[%multiple_of3A_119] : memref<6400000xf32, #tpu.memory_space<hbm>> -> memref<3200xf32, #tpu.memory_space<hbm>>
      tpu.enqueue_dma source(%dma_start3A_121 : memref<3200xf32, #tpu.memory_space<hbm>>) target(%arg8 : memref<3200xf32, #tpu.memory_space<vmem>>) target_semaphore(%arg15 : memref<!tpu.dma_semaphore, #tpu.memory_space<semaphore_mem>>)
      %dma_start3A_122 = tpu.memref_slice %arg3[%multiple_of3A_119] : memref<6400000xi32, #tpu.memory_space<hbm>> -> memref<3200xi32, #tpu.memory_space<hbm>>
      %dma_start3A_123 = tpu.memref_slice %arg3[%multiple_of3A_119] : memref<6400000xi32, #tpu.memory_space<hbm>> -> memref<3200xi32, #tpu.memory_space<hbm>>
      tpu.enqueue_dma source(%dma_start3A_123 : memref<3200xi32, #tpu.memory_space<hbm>>) target(%arg10 : memref<3200xi32, #tpu.memory_space<vmem>>) target_semaphore(%arg15 : memref<!tpu.dma_semaphore, #tpu.memory_space<semaphore_mem>>)
      %dma_start3A_124 = arith.constant 0 : i32
      %dma_start3A_125 = tpu.memref_slice %arg4[%dma_start3A_124, %multiple_of3A_119] : memref<2x6400000xi32, #tpu.memory_space<hbm>> -> memref<2x3200xi32, #tpu.memory_space<hbm>>
      %dma_start3A_126 = arith.constant 0 : i32
      %dma_start3A_127 = tpu.memref_slice %arg4[%dma_start3A_126, %multiple_of3A_119] : memref<2x6400000xi32, #tpu.memory_space<hbm>> -> memref<2x3200xi32, #tpu.memory_space<hbm>>
      tpu.enqueue_dma source(%dma_start3A_127 : memref<2x3200xi32, #tpu.memory_space<hbm>>) target(%arg12 : memref<2x3200xi32, #tpu.memory_space<vmem>>) target_semaphore(%arg15 : memref<!tpu.dma_semaphore, #tpu.memory_space<semaphore_mem>>)
      %mul3A_128 = arith.constant 2 : i32
      %mul3A_129 = arith.muli %mul3A_128, %add3A_92 : i32
      %add3A_130 = arith.constant 1 : i32
      %add3A_131 = arith.addi %mul3A_129, %add3A_130 : i32
      %mul3A_132 = arith.constant 3200 : i32
      %mul3A_133 = arith.muli %add3A_131, %mul3A_132 : i32
      %multiple_of3A_134 = tpu.assume_multiple %mul3A_133, 128 : i32
      %dma_wait3A_135 = tpu.memref_slice %arg2[%multiple_of3A_134] : memref<6400000xf32, #tpu.memory_space<hbm>> -> memref<3200xf32, #tpu.memory_space<hbm>>
      %dma_wait3A_136 = tpu.memref_slice %arg2[%multiple_of3A_134] : memref<6400000xf32, #tpu.memory_space<hbm>> -> memref<3200xf32, #tpu.memory_space<hbm>>
      tpu.wait_dma2 semaphore(%arg16 : memref<!tpu.dma_semaphore, #tpu.memory_space<semaphore_mem>>) src(%dma_wait3A_136 : memref<3200xf32, #tpu.memory_space<hbm>>) dst(%arg9 : memref<3200xf32, #tpu.memory_space<vmem>>)
      %dma_wait3A_137 = tpu.memref_slice %arg3[%multiple_of3A_134] : memref<6400000xi32, #tpu.memory_space<hbm>> -> memref<3200xi32, #tpu.memory_space<hbm>>
      %dma_wait3A_138 = tpu.memref_slice %arg3[%multiple_of3A_134] : memref<6400000xi32, #tpu.memory_space<hbm>> -> memref<3200xi32, #tpu.memory_space<hbm>>
      tpu.wait_dma2 semaphore(%arg16 : memref<!tpu.dma_semaphore, #tpu.memory_space<semaphore_mem>>) src(%dma_wait3A_138 : memref<3200xi32, #tpu.memory_space<hbm>>) dst(%arg11 : memref<3200xi32, #tpu.memory_space<vmem>>)
      %dma_wait3A_139 = arith.constant 0 : i32
      %dma_wait3A_140 = tpu.memref_slice %arg4[%dma_wait3A_139, %multiple_of3A_134] : memref<2x6400000xi32, #tpu.memory_space<hbm>> -> memref<2x3200xi32, #tpu.memory_space<hbm>>
      %dma_wait3A_141 = arith.constant 0 : i32
      %dma_wait3A_142 = tpu.memref_slice %arg4[%dma_wait3A_141, %multiple_of3A_134] : memref<2x6400000xi32, #tpu.memory_space<hbm>> -> memref<2x3200xi32, #tpu.memory_space<hbm>>
      tpu.wait_dma2 semaphore(%arg16 : memref<!tpu.dma_semaphore, #tpu.memory_space<semaphore_mem>>) src(%dma_wait3A_142 : memref<2x3200xi32, #tpu.memory_space<hbm>>) dst(%arg13 : memref<2x3200xi32, #tpu.memory_space<vmem>>)
      %parallel_loop3A_143 = arith.constant 0 : i32
      %parallel_loop3A_144 = arith.constant 3200 : i32
      %parallel_loop3A_145 = arith.constant 16 : i32
      %parallel_loop3A_146 = scf.for %parallel_loop3A_162 = %parallel_loop3A_143 to %parallel_loop3A_144 step %parallel_loop3A_145 iter_args(%parallel_loop3A_163 = %parallel_loop3A_114) -> (vector<16xf32>)  : i32 {
        %parallel_loop3A_164 = arith.constant 0 : i32
        %parallel_loop3A_165 = arith.index_cast %parallel_loop3A_164 : i32 to index
        %parallel_loop3A_166 = arith.index_cast %parallel_loop3A_162 : i32 to index
        %parallel_loop3A_167 = tpu.vector_load %arg13[%parallel_loop3A_165, %parallel_loop3A_166] {strides = array<i32>} : memref<2x3200xi32, #tpu.memory_space<vmem>>, vector<16xi32>,
        %parallel_loop3A_168 = tpu.vector_load_idx %arg7[%parallel_loop3A_167] : memref<100000xf32, #tpu.memory_space<vmem>>[vector<16xi32>], vector<16xf32>,
        %parallel_loop3A_169 = arith.index_cast %parallel_loop3A_162 : i32 to index
        %parallel_loop3A_170 = tpu.vector_load %arg9[%parallel_loop3A_169] {strides = array<i32>} : memref<3200xf32, #tpu.memory_space<vmem>>, vector<16xf32>,
        %parallel_loop3A_171 = arith.index_cast %parallel_loop3A_162 : i32 to index
        %parallel_loop3A_172 = tpu.vector_load %arg11[%parallel_loop3A_171] {strides = array<i32>} : memref<3200xi32, #tpu.memory_space<vmem>>, vector<16xi32>,
        %parallel_loop3A_173 = arith.constant 0 : i32
        %parallel_loop3A_174 = vector.broadcast %parallel_loop3A_173 : i32 to vector<16xi32>
        %parallel_loop3A_175 = arith.cmpi ne, %parallel_loop3A_172, %parallel_loop3A_174 : vector<16xi32>
        %parallel_loop3A_176 = arith.constant 0.899999976 : f32
        %parallel_loop3A_177 = vector.broadcast %parallel_loop3A_176 : f32 to vector<16xf32>
        %parallel_loop3A_178 = arith.cmpf ogt, %parallel_loop3A_168, %parallel_loop3A_177 : vector<16xf32>
        %parallel_loop3A_179 = arith.andi %parallel_loop3A_175, %parallel_loop3A_178 : vector<16xi1>
        %parallel_loop3A_180 = arith.constant 1.000000e+00 : f32
        %parallel_loop3A_181 = vector.broadcast %parallel_loop3A_180 : f32 to vector<16xf32>
        %parallel_loop3A_182 = arith.subf %parallel_loop3A_181, %parallel_loop3A_170 : vector<16xf32>
        %parallel_loop3A_183 = arith.select %parallel_loop3A_179, %parallel_loop3A_170, %parallel_loop3A_182 : vector<16xi1>, vector<16xf32>
        %parallel_loop3A_184 = vector.bitcast %parallel_loop3A_183 : vector<16xf32> to vector<16xi32>
        %parallel_loop3A_185 = arith.constant 23 : i32
        %parallel_loop3A_186 = vector.broadcast %parallel_loop3A_185 : i32 to vector<16xi32>
        %parallel_loop3A_187 = arith.shrsi %parallel_loop3A_184, %parallel_loop3A_186 : vector<16xi32>
        %parallel_loop3A_188 = arith.constant 127 : i32
        %parallel_loop3A_189 = vector.broadcast %parallel_loop3A_188 : i32 to vector<16xi32>
        %parallel_loop3A_190 = arith.subi %parallel_loop3A_187, %parallel_loop3A_189 : vector<16xi32>
        %parallel_loop3A_191 = arith.constant 8388607 : i32
        %parallel_loop3A_192 = vector.broadcast %parallel_loop3A_191 : i32 to vector<16xi32>
        %parallel_loop3A_193 = arith.andi %parallel_loop3A_184, %parallel_loop3A_192 : vector<16xi32>
        %parallel_loop3A_194 = arith.constant 1065353216 : i32
        %parallel_loop3A_195 = vector.broadcast %parallel_loop3A_194 : i32 to vector<16xi32>
        %parallel_loop3A_196 = arith.ori %parallel_loop3A_193, %parallel_loop3A_195 : vector<16xi32>
        %parallel_loop3A_197 = vector.bitcast %parallel_loop3A_196 : vector<16xi32> to vector<16xf32>
        %parallel_loop3A_198 = arith.constant 1.000000e+00 : f32
        %parallel_loop3A_199 = vector.broadcast %parallel_loop3A_198 : f32 to vector<16xf32>
        %parallel_loop3A_200 = arith.subf %parallel_loop3A_197, %parallel_loop3A_199 : vector<16xf32>
        %parallel_loop3A_201 = arith.constant -0.00615147082 : f32
        %parallel_loop3A_202 = vector.broadcast %parallel_loop3A_201 : f32 to vector<16xf32>
        %parallel_loop3A_203 = arith.mulf %parallel_loop3A_200, %parallel_loop3A_202 : vector<16xf32>
        %parallel_loop3A_204 = arith.constant 0.0348497108 : f32
        %parallel_loop3A_205 = vector.broadcast %parallel_loop3A_204 : f32 to vector<16xf32>
        %parallel_loop3A_206 = arith.addf %parallel_loop3A_205, %parallel_loop3A_203 : vector<16xf32>
        %parallel_loop3A_207 = arith.mulf %parallel_loop3A_200, %parallel_loop3A_206 : vector<16xf32>
        %parallel_loop3A_208 = arith.constant -0.0932520404 : f32
        %parallel_loop3A_209 = vector.broadcast %parallel_loop3A_208 : f32 to vector<16xf32>
        %parallel_loop3A_210 = arith.addf %parallel_loop3A_209, %parallel_loop3A_207 : vector<16xf32>
        %parallel_loop3A_211 = arith.mulf %parallel_loop3A_200, %parallel_loop3A_210 : vector<16xf32>
        %parallel_loop3A_212 = arith.constant 0.165822759 : f32
        %parallel_loop3A_213 = vector.broadcast %parallel_loop3A_212 : f32 to vector<16xf32>
        %parallel_loop3A_214 = arith.addf %parallel_loop3A_213, %parallel_loop3A_211 : vector<16xf32>
        %parallel_loop3A_215 = arith.mulf %parallel_loop3A_200, %parallel_loop3A_214 : vector<16xf32>
        %parallel_loop3A_216 = arith.constant -0.239826158 : f32
        %parallel_loop3A_217 = vector.broadcast %parallel_loop3A_216 : f32 to vector<16xf32>
        %parallel_loop3A_218 = arith.addf %parallel_loop3A_217, %parallel_loop3A_215 : vector<16xf32>
        %parallel_loop3A_219 = arith.mulf %parallel_loop3A_200, %parallel_loop3A_218 : vector<16xf32>
        %parallel_loop3A_220 = arith.constant 0.331548631 : f32
        %parallel_loop3A_221 = vector.broadcast %parallel_loop3A_220 : f32 to vector<16xf32>
        %parallel_loop3A_222 = arith.addf %parallel_loop3A_221, %parallel_loop3A_219 : vector<16xf32>
        %parallel_loop3A_223 = arith.mulf %parallel_loop3A_200, %parallel_loop3A_222 : vector<16xf32>
        %parallel_loop3A_224 = arith.constant -0.499838561 : f32
        %parallel_loop3A_225 = vector.broadcast %parallel_loop3A_224 : f32 to vector<16xf32>
        %parallel_loop3A_226 = arith.addf %parallel_loop3A_225, %parallel_loop3A_223 : vector<16xf32>
        %parallel_loop3A_227 = arith.mulf %parallel_loop3A_200, %parallel_loop3A_226 : vector<16xf32>
        %parallel_loop3A_228 = arith.constant 0.999994277 : f32
        %parallel_loop3A_229 = vector.broadcast %parallel_loop3A_228 : f32 to vector<16xf32>
        %parallel_loop3A_230 = arith.addf %parallel_loop3A_229, %parallel_loop3A_227 : vector<16xf32>
        %parallel_loop3A_231 = arith.mulf %parallel_loop3A_200, %parallel_loop3A_230 : vector<16xf32>
        %parallel_loop3A_232 = arith.constant 3.38696537E-8 : f32
        %parallel_loop3A_233 = vector.broadcast %parallel_loop3A_232 : f32 to vector<16xf32>
        %parallel_loop3A_234 = arith.addf %parallel_loop3A_233, %parallel_loop3A_231 : vector<16xf32>
        %parallel_loop3A_235 = arith.sitofp %parallel_loop3A_190 : vector<16xi32> to vector<16xf32>
        %parallel_loop3A_236 = arith.constant 0.693147182 : f32
        %parallel_loop3A_237 = vector.broadcast %parallel_loop3A_236 : f32 to vector<16xf32>
        %parallel_loop3A_238 = arith.mulf %parallel_loop3A_235, %parallel_loop3A_237 : vector<16xf32>
        %parallel_loop3A_239 = arith.addf %parallel_loop3A_234, %parallel_loop3A_238 : vector<16xf32>
        %parallel_loop3A_240 = arith.subf %parallel_loop3A_163, %parallel_loop3A_239 : vector<16xf32>
        scf.yield %parallel_loop3A_240 : vector<16xf32>
      } {sc.loop_unroll_factor = 8 : i64, sc.parallel_access}
      %mul3A_147 = arith.constant 2 : i32
      %mul3A_148 = arith.muli %mul3A_147, %add3A_98 : i32
      %add3A_149 = arith.constant 1 : i32
      %add3A_150 = arith.addi %mul3A_148, %add3A_149 : i32
      %mul3A_151 = arith.constant 3200 : i32
      %mul3A_152 = arith.muli %add3A_150, %mul3A_151 : i32
      %multiple_of3A_153 = tpu.assume_multiple %mul3A_152, 128 : i32
      %dma_start3A_154 = tpu.memref_slice %arg2[%multiple_of3A_153] : memref<6400000xf32, #tpu.memory_space<hbm>> -> memref<3200xf32, #tpu.memory_space<hbm>>
      %dma_start3A_155 = tpu.memref_slice %arg2[%multiple_of3A_153] : memref<6400000xf32, #tpu.memory_space<hbm>> -> memref<3200xf32, #tpu.memory_space<hbm>>
      tpu.enqueue_dma source(%dma_start3A_155 : memref<3200xf32, #tpu.memory_space<hbm>>) target(%arg9 : memref<3200xf32, #tpu.memory_space<vmem>>) target_semaphore(%arg16 : memref<!tpu.dma_semaphore, #tpu.memory_space<semaphore_mem>>)
      %dma_start3A_156 = tpu.memref_slice %arg3[%multiple_of3A_153] : memref<6400000xi32, #tpu.memory_space<hbm>> -> memref<3200xi32, #tpu.memory_space<hbm>>
      %dma_start3A_157 = tpu.memref_slice %arg3[%multiple_of3A_153] : memref<6400000xi32, #tpu.memory_space<hbm>> -> memref<3200xi32, #tpu.memory_space<hbm>>
      tpu.enqueue_dma source(%dma_start3A_157 : memref<3200xi32, #tpu.memory_space<hbm>>) target(%arg11 : memref<3200xi32, #tpu.memory_space<vmem>>) target_semaphore(%arg16 : memref<!tpu.dma_semaphore, #tpu.memory_space<semaphore_mem>>)
      %dma_start3A_158 = arith.constant 0 : i32
      %dma_start3A_159 = tpu.memref_slice %arg4[%dma_start3A_158, %multiple_of3A_153] : memref<2x6400000xi32, #tpu.memory_space<hbm>> -> memref<2x3200xi32, #tpu.memory_space<hbm>>
      %dma_start3A_160 = arith.constant 0 : i32
      %dma_start3A_161 = tpu.memref_slice %arg4[%dma_start3A_160, %multiple_of3A_153] : memref<2x6400000xi32, #tpu.memory_space<hbm>> -> memref<2x3200xi32, #tpu.memory_space<hbm>>
      tpu.enqueue_dma source(%dma_start3A_161 : memref<2x3200xi32, #tpu.memory_space<hbm>>) target(%arg13 : memref<2x3200xi32, #tpu.memory_space<vmem>>) target_semaphore(%arg16 : memref<!tpu.dma_semaphore, #tpu.memory_space<semaphore_mem>>)
      scf.yield %parallel_loop3A_146 : vector<16xf32>
    }
    %mul3A_60 = arith.constant 2 : i32
    %mul3A_61 = arith.muli %mul3A_60, %add3A : i32
    %mul3A_62 = arith.constant 3200 : i32
    %mul3A_63 = arith.muli %mul3A_61, %mul3A_62 : i32
    %multiple_of3A_64 = tpu.assume_multiple %mul3A_63, 128 : i32
    %dma_wait3A = tpu.memref_slice %arg2[%multiple_of3A_64] : memref<6400000xf32, #tpu.memory_space<hbm>> -> memref<3200xf32, #tpu.memory_space<hbm>>
    %dma_wait3A_65 = tpu.memref_slice %arg2[%multiple_of3A_64] : memref<6400000xf32, #tpu.memory_space<hbm>> -> memref<3200xf32, #tpu.memory_space<hbm>>
    tpu.wait_dma2 semaphore(%arg15 : memref<!tpu.dma_semaphore, #tpu.memory_space<semaphore_mem>>) src(%dma_wait3A_65 : memref<3200xf32, #tpu.memory_space<hbm>>) dst(%arg8 : memref<3200xf32, #tpu.memory_space<vmem>>)
    %dma_wait3A_66 = tpu.memref_slice %arg3[%multiple_of3A_64] : memref<6400000xi32, #tpu.memory_space<hbm>> -> memref<3200xi32, #tpu.memory_space<hbm>>
    %dma_wait3A_67 = tpu.memref_slice %arg3[%multiple_of3A_64] : memref<6400000xi32, #tpu.memory_space<hbm>> -> memref<3200xi32, #tpu.memory_space<hbm>>
    tpu.wait_dma2 semaphore(%arg15 : memref<!tpu.dma_semaphore, #tpu.memory_space<semaphore_mem>>) src(%dma_wait3A_67 : memref<3200xi32, #tpu.memory_space<hbm>>) dst(%arg10 : memref<3200xi32, #tpu.memory_space<vmem>>)
    %dma_wait3A_68 = arith.constant 0 : i32
    %dma_wait3A_69 = tpu.memref_slice %arg4[%dma_wait3A_68, %multiple_of3A_64] : memref<2x6400000xi32, #tpu.memory_space<hbm>> -> memref<2x3200xi32, #tpu.memory_space<hbm>>
    %dma_wait3A_70 = arith.constant 0 : i32
    %dma_wait3A_71 = tpu.memref_slice %arg4[%dma_wait3A_70, %multiple_of3A_64] : memref<2x6400000xi32, #tpu.memory_space<hbm>> -> memref<2x3200xi32, #tpu.memory_space<hbm>>
    tpu.wait_dma2 semaphore(%arg15 : memref<!tpu.dma_semaphore, #tpu.memory_space<semaphore_mem>>) src(%dma_wait3A_71 : memref<2x3200xi32, #tpu.memory_space<hbm>>) dst(%arg12 : memref<2x3200xi32, #tpu.memory_space<vmem>>)
    %mul3A_72 = arith.constant 2 : i32
    %mul3A_73 = arith.muli %mul3A_72, %add3A : i32
    %add3A_74 = arith.constant 1 : i32
    %add3A_75 = arith.addi %mul3A_73, %add3A_74 : i32
    %mul3A_76 = arith.constant 3200 : i32
    %mul3A_77 = arith.muli %add3A_75, %mul3A_76 : i32
    %multiple_of3A_78 = tpu.assume_multiple %mul3A_77, 128 : i32
    %dma_wait3A_79 = tpu.memref_slice %arg2[%multiple_of3A_78] : memref<6400000xf32, #tpu.memory_space<hbm>> -> memref<3200xf32, #tpu.memory_space<hbm>>
    %dma_wait3A_80 = tpu.memref_slice %arg2[%multiple_of3A_78] : memref<6400000xf32, #tpu.memory_space<hbm>> -> memref<3200xf32, #tpu.memory_space<hbm>>
    tpu.wait_dma2 semaphore(%arg16 : memref<!tpu.dma_semaphore, #tpu.memory_space<semaphore_mem>>) src(%dma_wait3A_80 : memref<3200xf32, #tpu.memory_space<hbm>>) dst(%arg9 : memref<3200xf32, #tpu.memory_space<vmem>>)
    %dma_wait3A_81 = tpu.memref_slice %arg3[%multiple_of3A_78] : memref<6400000xi32, #tpu.memory_space<hbm>> -> memref<3200xi32, #tpu.memory_space<hbm>>
    %dma_wait3A_82 = tpu.memref_slice %arg3[%multiple_of3A_78] : memref<6400000xi32, #tpu.memory_space<hbm>> -> memref<3200xi32, #tpu.memory_space<hbm>>
    tpu.wait_dma2 semaphore(%arg16 : memref<!tpu.dma_semaphore, #tpu.memory_space<semaphore_mem>>) src(%dma_wait3A_82 : memref<3200xi32, #tpu.memory_space<hbm>>) dst(%arg11 : memref<3200xi32, #tpu.memory_space<vmem>>)
    %dma_wait3A_83 = arith.constant 0 : i32
    %dma_wait3A_84 = tpu.memref_slice %arg4[%dma_wait3A_83, %multiple_of3A_78] : memref<2x6400000xi32, #tpu.memory_space<hbm>> -> memref<2x3200xi32, #tpu.memory_space<hbm>>
    %dma_wait3A_85 = arith.constant 0 : i32
    %dma_wait3A_86 = tpu.memref_slice %arg4[%dma_wait3A_85, %multiple_of3A_78] : memref<2x6400000xi32, #tpu.memory_space<hbm>> -> memref<2x3200xi32, #tpu.memory_space<hbm>>
    tpu.wait_dma2 semaphore(%arg16 : memref<!tpu.dma_semaphore, #tpu.memory_space<semaphore_mem>>) src(%dma_wait3A_86 : memref<2x3200xi32, #tpu.memory_space<hbm>>) dst(%arg13 : memref<2x3200xi32, #tpu.memory_space<vmem>>)
    %swap3A = arith.constant 0 : index
    %swap3A_87 = tpu.vector_load %arg14[%swap3A] {strides = array<i32>} : memref<16xf32, #tpu.memory_space<vmem>>, vector<16xf32>,
    tpu.vector_store %arg14[%swap3A], %while3A_59 {strides = array<i32>} : memref<16xf32, #tpu.memory_space<vmem>>, vector<16xf32>,
    "tpu.region"() ({
      %run_scoped3A = tpu.sem_alloc : memref<!tpu.dma_semaphore, #tpu.memory_space<semaphore_mem>>
      %dma_start3A_88 = arith.constant 0 : i32
      %dma_start3A_89 = tpu.memref_slice %arg6[%add3A, %dma_start3A_88] : memref<32x16xf32, #tpu.memory_space<hbm>> -> memref<1x16xf32, #tpu.memory_space<hbm>>
      %dma_start3A_90 = tpu.memref_squeeze %dma_start3A_89 : memref<1x16xf32, #tpu.memory_space<hbm>> -> memref<16xf32, #tpu.memory_space<hbm>>
      %dma_start3A_91 = arith.constant 0 : i32
      %dma_start3A_92 = tpu.memref_slice %arg6[%add3A, %dma_start3A_91] : memref<32x16xf32, #tpu.memory_space<hbm>> -> memref<1x16xf32, #tpu.memory_space<hbm>>
      %dma_start3A_93 = tpu.memref_squeeze %dma_start3A_92 : memref<1x16xf32, #tpu.memory_space<hbm>> -> memref<16xf32, #tpu.memory_space<hbm>>
      tpu.enqueue_dma source(%arg14 : memref<16xf32, #tpu.memory_space<vmem>>) target(%dma_start3A_93 : memref<16xf32, #tpu.memory_space<hbm>>) target_semaphore(%run_scoped3A : memref<!tpu.dma_semaphore, #tpu.memory_space<semaphore_mem>>)
      %dma_wait3A_94 = arith.constant 0 : i32
      %dma_wait3A_95 = tpu.memref_slice %arg6[%add3A, %dma_wait3A_94] : memref<32x16xf32, #tpu.memory_space<hbm>> -> memref<1x16xf32, #tpu.memory_space<hbm>>
      %dma_wait3A_96 = tpu.memref_squeeze %dma_wait3A_95 : memref<1x16xf32, #tpu.memory_space<hbm>> -> memref<16xf32, #tpu.memory_space<hbm>>
      %dma_wait3A_97 = arith.constant 0 : i32
      %dma_wait3A_98 = tpu.memref_slice %arg6[%add3A, %dma_wait3A_97] : memref<32x16xf32, #tpu.memory_space<hbm>> -> memref<1x16xf32, #tpu.memory_space<hbm>>
      %dma_wait3A_99 = tpu.memref_squeeze %dma_wait3A_98 : memref<1x16xf32, #tpu.memory_space<hbm>> -> memref<16xf32, #tpu.memory_space<hbm>>
      tpu.wait_dma2 semaphore(%run_scoped3A : memref<!tpu.dma_semaphore, #tpu.memory_space<semaphore_mem>>) src(%arg14 : memref<16xf32, #tpu.memory_space<vmem>>) dst(%dma_wait3A_99 : memref<16xf32, #tpu.memory_space<hbm>>)
      tpu.yield
    }) : () -> ()
    return
  }
}

</mosaic_0001>

<sc_bundles>
// kernel: kernel.3.cloned.1.call-start
scs
__scs_entry_jumppad:
0x0: {  	(pc) =	sbr.rel $0x88, $3  }
0x1: {  	(tag) =	ssettag $0x0;
	lr =	simm.s32 $0x1  }
0x2: {  	[smem:$0x3F9D] =	sst lr;
	_ =	strace $0xD0000000  }
0x3: {  	_ = 	snop  }
0x4: {  	_ = 	snop  }
0x5: {  	_ = 	snop  }
0x6: {  	_ = 	snop  }
0x7: {  	_ = 	snop  }
__scs_overlays_trampoline_lowered:
0x8: {  	[smem:$0x3FAC] =	sst s0  }
0x9: {  	[smem:$0x3FAD] =	sst s1  }
0xa: {  	[smem:$0x3FAE] =	sst s2  }
0xb: {  	[smem:$0x3FAF] =	sst s3  }
0xc: {  	[smem:$0x3FB0] =	sst s4  }
0xd: {  	[smem:$0x3FB1] =	sst s5  }
0xe: {  	[smem:$0x3FB2] =	sst s6  }
0xf: {  	[smem:$0x3FB3] =	sst s7  }
0x10: {  	[smem:$0x3FB4] =	sst s8  }
0x11: {  	[smem:$0x3FB5] =	sst s9;
	s0 =	simm.s32 @!p0 $0x0  }
0x12: {  	s1 =	sld [smem:$0x3F9B];
	s0 =	simm.s32 @p0 $0x1  }
0x13: {  	[smem:$0x3FB6] =	sst s0;
	s0 =	simm.s32 @!p1 $0x0  }
0x14: {  	s2 =	sld [smem:$0x3F9A];
	s0 =	simm.s32 @p1 $0x1  }
0x15: {  	[smem:$0x3FB7] =	sst s0;
	s0 =	simm.s32 @!p2 $0x0  }
0x16: {  	s3 =	sld [smem:$0x3FDB];
	s0 =	simm.s32 @p2 $0x1  }
0x17: {  	s4 =	simm.s32 $0x1BF5;
	[smem:$0x3FB9] =	sst s0  }
0x18: {  	s0 =	sld [smem:$0x3F9C];
	_ =	swait.ge [sflag:s4], $0x0  }
0x19: {  	s7 =	sld [smem:$0x3F9D]  }
0x1a: {  	s8 =	sadd.s32 $0xFFFFE003, lr  }
0x1b: {  	s9 =	sadd.s32 $0xFFFFFEF7, lr;
	s5 =	simm.s32 $0xFFFFFFFF;
	p2 =	slt.u32 s8, $0xFFFFF086  }
0x1c: {  	p1 =	slt.u32 s9, $0xF7A;
	s5 =	simm.s32 @!p2 $0x0  }
0x1d: {  	s5 =	simm.s32 @p1 $0x1;
	p0 =	seq.s32 s7, s2  }
0x1e: {  	s7 =	smul.u32 @!p0 $0xF7A, s2;
	p2 =	seq.s32 @!p0 s5, $0x0  }
0x1f: {  	s9 =	smul.u32 $0xF7A, s1;
	s8 =	simm.s32 @!p0 $0x1BF5;
	p2 =	por !p2, p0  }
0x20: {  	[sflag:s8] =	ssyncset.s32 @!p0 $0xFFFFF086;
	s6 =	sadd.s32 @!p0 s3, s7;
	s7 =	simm.s32 @!p0 $0x108  }
0x21: {  	s3 =	sadd.s32 s3, s9;
	s6 =	sadd.s32 @!p0 $0x88, s6;
	s7 =	simm.s32 @p2 $0x1082  }
0x22: {  	[simem:s7], [sflag:s8] =	dma.local @!p0 [hbm:s6], $0xF7A  }
0x23: {  	s9 =	sor.u32 $0xD0000000, s2;
	s6 =	simm.s32 $0x108;
	_ =	swait.ge @!p0 [sflag:s8], $0x0  }
0x24: {  	s3 =	sadd.s32 $0x88, s3;
	s6 =	simm.s32 @!p1 $0x1082;
	[sflag:s4] =	ssyncset.s32 $0xFFFFF086  }
0x25: {  	[simem:s6], [sflag:s4] =	dma.local [hbm:s3], $0xF7A  }
0x26: {  	[smem:$0x3F9D] =	sst s1;
	(tag) =	ssettag s2;
	_ =	strace s9  }
0x27: {  	s1 =	sld [smem:$0x3FAD]  }
0x28: {  	s2 =	sld [smem:$0x3FAE]  }
0x29: {  	s4 =	sld [smem:$0x3FB0]  }
0x2a: {  	p0 =	seq.s32 s5, $0x0;
	s5 =	sld [smem:$0x3FB1]  }
0x2b: {  	s6 =	sld [smem:$0x3FB2]  }
0x2c: {  	s7 =	sld [smem:$0x3FB3]  }
0x2d: {  	s3 =	simm.s32 $0x108;
	s8 =	sld [smem:$0x3FB4]  }
0x2e: {  	s3 =	simm.s32 @!p0 $0x1082;
	s9 =	sld [smem:$0x3FB5]  }
0x2f: {  	lr =	sadd.s32 s0, s3;
	s0 =	sld [smem:$0x3FAC]  }
0x30: {  	s3 =	sld [smem:$0x3FAF]  }
0x31: {  	[smem:$0x3FB8] =	sst s10  }
0x32: {  	s10 =	sld [smem:$0x3FB6];
	_ =	sdelay $0x3  }
0x33: {  	p0 =	seq.s32 s10, $0x1;
	s10 =	sld [smem:$0x3FB8];
	_ =	sdelay $0x3  }
0x34: {  	[smem:$0x3FB8] =	sst s10  }
0x35: {  	s10 =	sld [smem:$0x3FB7];
	_ =	sdelay $0x3  }
0x36: {  	p1 =	seq.s32 s10, $0x1;
	s10 =	sld [smem:$0x3FB8];
	_ =	sdelay $0x3  }
0x37: {  	[smem:$0x3FB8] =	sst s10  }
0x38: {  	s10 =	sld [smem:$0x3FB9]  }
0x39: {  	_ = 	snop;
	(pc) =	sbr.ind lr, $3  }
0x3a: {  	_ = 	snop  }
0x3b: {  	_ = 	snop  }
0x3c: {  	p2 =	seq.s32 s10, $0x1;
	s10 =	sld [smem:$0x3FB8]  }
0x3d: {  	_ =	shalt  }
0x3e: {  	_ =	shalt  }
0x3f: {  	_ =	shalt  }
0x40: {  	_ =	shalt  }
0x41: {  	_ =	shalt  }
0x42: {  	_ =	shalt  }
0x43: {  	_ =	shalt  }
0x44: {  	_ =	shalt  }
0x45: {  	_ =	shalt  }
0x46: {  	_ =	shalt  }
0x47: {  	_ =	shalt  }
0x48: {  	_ =	shalt  }
0x49: {  	_ =	shalt  }
0x4a: {  	_ =	shalt  }
0x4b: {  	_ =	shalt  }
0x4c: {  	_ =	shalt  }
0x4d: {  	_ =	shalt  }
0x4e: {  	_ =	shalt  }
0x4f: {  	_ =	shalt  }
0x50: {  	_ =	shalt  }
0x51: {  	_ =	shalt  }
0x52: {  	_ =	shalt  }
0x53: {  	_ =	shalt  }
0x54: {  	_ =	shalt  }
0x55: {  	_ =	shalt  }
0x56: {  	_ =	shalt  }
0x57: {  	_ =	shalt  }
0x58: {  	_ =	shalt  }
0x59: {  	_ =	shalt  }
0x5a: {  	_ =	shalt  }
0x5b: {  	_ =	shalt  }
0x5c: {  	_ =	shalt  }
0x5d: {  	_ =	shalt  }
0x5e: {  	_ =	shalt  }
0x5f: {  	_ =	shalt  }
0x60: {  	_ =	shalt  }
0x61: {  	_ =	shalt  }
0x62: {  	_ =	shalt  }
0x63: {  	_ =	shalt  }
0x64: {  	_ =	shalt  }
0x65: {  	_ =	shalt  }
0x66: {  	_ =	shalt  }
0x67: {  	_ =	shalt  }
0x68: {  	_ =	shalt  }
0x69: {  	_ =	shalt  }
0x6a: {  	_ =	shalt  }
0x6b: {  	_ =	shalt  }
0x6c: {  	_ =	shalt  }
0x6d: {  	_ =	shalt  }
0x6e: {  	_ =	shalt  }
0x6f: {  	_ =	shalt  }
0x70: {  	_ =	shalt  }
0x71: {  	_ =	shalt  }
0x72: {  	_ =	shalt  }
0x73: {  	_ =	shalt  }
0x74: {  	_ =	shalt  }
0x75: {  	_ =	shalt  }
0x76: {  	_ =	shalt  }
0x77: {  	_ =	shalt  }
0x78: {  	_ =	shalt  }
0x79: {  	_ =	shalt  }
0x7a: {  	_ =	shalt  }
0x7b: {  	_ =	shalt  }
0x7c: {  	_ =	shalt  }
0x7d: {  	_ =	shalt  }
0x7e: {  	_ =	shalt  }
0x7f: {  	_ =	shalt  }
0x80: {  	_ =	shalt  }
0x81: {  	_ =	shalt  }
0x82: {  	_ =	shalt  }
0x83: {  	_ =	shalt  }
0x84: {  	_ =	shalt  }
0x85: {  	_ =	shalt  }
0x86: {  	_ =	shalt  }
0x87: {  	_ =	shalt  }
.Lfunc_end0:
.L_simem_size_0:
called_computation_lowered:
.L_overlay_start_0:
0x88: {  	s2 =	sld [smem:$0x3FD9]  }
0x89: {  	s3 =	sld [smem:$0x3FFE];
	_ =	sdelay $0x1  }
0x8a: {  	s1 =	srdreg.scid  }
0x8b: {  	s0 =	sand.u32 $0x1, s1  }
0x8c: {  	s17 =	sshll.u32 s0, $0xA;
	s2 =	sadd.s32 s3, s2  }
0x8d: {  	s2 =	sadd.s32 s2, s17  }
0x8e: {  	[smem:$0x3FC4] =	sst s2  }
0x8f: {  	_ = 	snop  }
0x90: {  	s2 =	sld [smem:$0x3FC9]  }
0x91: {  	s18 =	sld [smem:$0x3FC8]  }
0x92: {  	s4 =	sld [smem:$0x3FC7]  }
0x93: {  	s5 =	sld [smem:$0x3FC6];
	(tm) =	ssettm $0x1  }
0x94: {  	s6 =	sld [smem:$0x3FFB];
	_ =	sdelay $0x3  }
0x95: {  	_ =	strace s6  }
0x96: {  	s6 =	sld [smem:$0x3FFC];
	_ =	sdelay $0x3  }
0x97: {  	_ =	strace s6  }
0x98: {  	s6 =	sld [smem:$0x3FFD];
	_ =	sdelay $0x3  }
0x99: {  	_ =	strace s6  }
0x9a: {  	_ =	strace $0x8FFFFFFF  }
0x9b: {  	s19 =	sld [smem:$0x3FDB];
	_ =	sdelay $0x1  }
0x9c: {  	s7 =	simm.s32 $_scs_section_size  }
0x9d: {  	s8 =	simm.s32 $_size__tile_overlayer_lowered;
	s9 =	simm.s32 $_tile_overlayer_lowered  }
0x9e: {  	s22 =	simm.s32 $0x1BFF;
	s21 =	sshll.u32 s9, $0x1;
	s6 =	sadd.s32 s7, s19  }
0x9f: {  	s10 =	simm.s32 $0x0;
	s20 =	sshll.u32 s8, $0x1;
	s8 =	sadd.s32 s21, s6  }
0xa0: {  	[timem:s10], [sflag:s22] =	dma.local [hbm:s8], s20  }
0xa1: {  	_ =	swait.ge [sflag:s22], s20  }
0xa2: {  	s7 =	ssub.s32 $0x0, s20;
	[sflag:s22] =	ssyncset.done $0x0  }
0xa3: {  	[sflag:s22] =	ssyncadd.s32 s7;
	_ =	sdelay $0x1  }
0xa4: {  	s23 =	simm.s32 $0x1B8B  }
0xa5: {  	_ =	swait.ge [sflag:s23], $0x1  }
0xa6: {  	[sflag:s23] =	ssyncset.done $0x0  }
0xa7: {  	s25 =	simm.s32 $0x1B8E;
	s24 =	sld [smem:$0x3FFE];
	[sflag:s23] =	ssyncadd.s32 $0xFFFFFFFF  }
0xa8: {  	s26 =	simm.s32 $execute0_lowered;
	[smem:$0x3FD2] =	sst s25  }
0xa9: {  	s8 =	sshll.u32 s26, $0x1;
	_ =	strace $0x80000046;
	[dreg:$0x1] =	wrdreg $0xFFFFFFFF  }
0xaa: {  	s28 =	simm.s32 $_size_execute0_lowered;
	s6 =	sadd.s32 s6, s8;
	[dreg:$0x0] =	wrdreg $0x0  }
0xab: {  	s8 =	sshll.u32 s28, $0x1;
	[dreg:$0x2] =	wrdreg s6  }
0xac: {  	[dreg:$0x3] =	wrdreg s8  }
0xad: {  	[dreg:$0x4] =	wrdreg $0xC0  }
0xae: {  	_ =	task [dreg:s10], $0x5FFFF  }
0xaf: {  	[dreg:$0x1] =	wrdreg $0xFFFFFFFF  }
0xb0: {  	[dreg:$0x0] =	wrdreg $0x60  }
0xb1: {  	[dreg:$0x2] =	wrdreg s2  }
0xb2: {  	[dreg:$0x3] =	wrdreg s18  }
0xb3: {  	[dreg:$0x4] =	wrdreg s4  }
0xb4: {  	[dreg:$0x5] =	wrdreg s5  }
0xb5: {  	[dreg:$0x6] =	wrdreg s24  }
0xb6: {  	[dreg:$0x7] =	wrdreg $0x9  }
0xb7: {  	_ =	task.clear_ibuf [dreg:s10], $0x8FFFF;
	_ =	strace $0x90000046  }
0xb8: {  	s29 =	simm.s32 $0x9;
	_ =	strace $0x80000048  }
0xb9: {  	_ =	swait.ge [sflag:s29], $0x1  }
0xba: {  	[sflag:s29] =	ssyncadd.s32 $0xFFFFFFFF  }
0xbb: {  	_ =	strace $0x90000048  }
0xbc: {  	_ =	sfence  }
0xbd: {  	s30 =	sld [smem:$0x0];
	_ =	sdelay $0x2  }
0xbe: {  	s31 =	sshll.u32 s1, $0xD;
	s1 =	sshrl.u32 s1, $0x2  }
0xbf: {  	s3 =	sand.u32 $0x4000, s31;
	s1 =	sadd.s32 s1, s30  }
0xc0: {  	s0 =	sor.u32 s3, s0;
	s1 =	sshll.u32 s1, $0x11  }
0xc1: {  	s0 =	sor.u32 s1, s0  }
0xc2: {  	s0 =	sadd.s32 $0x8F2B, s0  }
0xc3: {  	[sflag:s0] =	ssyncadd.remote.s32 $0x1  }
0xc4: {  	_ =	sfence.sel $0xFFFF  }
0xc5: {  	[dreg:$0x0] =	wrdreg $0xFFFFFFFF;
	(pc) =	sbr.abs _section_cstart, $3  }
0xc6: {  	[dreg:$0x1] =	wrdreg $0xFFFFFFFF  }
0xc7: {  	_ =	task.clear_ibuf [dreg:s10], $0x2FFFF;
	_ =	strace $0x9FFFFFFF  }
0xc8: {  	(tm) =	ssettm $0x7FFFFFFF  }
0xc9: {  	_ =	shalt  }
tec
execute0_lowered:
.L_overlay_start_1:
0x0: {  	(tag) =	ssettag $0x1  }
0x1: {  	s0 =	rddreg [dreg:$0x0]  }
0x2: {  	s2 =	rddreg [dreg:$0x1]  }
0x3: {  	s3 =	rddreg [dreg:$0x2];
	s1 =	srdreg.scid  }
0x4: {  	s5 =	stileid.u32;
	s4 =	rddreg [dreg:$0x4];
	s6 =	simm.s32 $0x0  }
0x5: {  	s17 =	simm.s32 $0x18700;
	s18 =	simm.s32 $0x1A000;
	s19 =	simm.s32 $0x1B900  }
0x6: {  	s20 =	simm.s32 $0x19380;
	s21 =	simm.s32 $0x1AC80;
	s22 =	simm.s32 $0x1D200  }
0x7: {  	s23 =	simm.s32 $0x3;
	s24 =	simm.s32 $0x1;
	s25 =	simm.s32 $0x2  }
0x8: {  	s26 =	simm.s32 $0x1EB00;
	s1 =	sand.u32 $0x1, s1;
	s5 =	sshll.u32 s5, $0x1  }
0x9: {  	s28 =	simm.s32 $0x0;
	[smem:$0x7FF] =	sst s6;
	s7 =	sor.u32 s1, s5  }
0xa: {  	s1 =	ssub.s32 $0x2, s1;
	_ =	strace $0x80000047;
	s5 =	smul.u32 $0x320, s7  }
0xb: {  	s8 =	sshrl.u32 s1, $0x1;
	s10 =	smul.u32 $0x1900, s7;
	s30 =	ssub.s32 $0x407, s7  }
0xc: {  	s11 =	smul.u32 $0x640, s7;
	s15 =	sshll.u32 s7, $0x4;
	s1 =	ssub.s32 s1, s8  }
0xd: {  	s8 =	sshrl.u32 s30, $0x5;
	s15 =	sadd.s32 s4, s15;
	s9 =	sadd.s32 s0, s5  }
0xe: {  	s13 =	sadd.s32 $0xC80, s10;
	s10 =	sadd.s32 s2, s5;
	s11 =	sadd.s32 s3, s11  }
0xf: {  	s16 =	smax.u32 s1, $0x1;
	s31 =	sshrl.u32 s13, $0x3;
	s14 =	sshrl.u32 s13, $0x2  }
0x10: {  	s12 =	sadd.s32 s0, s31;
	s13 =	sadd.s32 s2, s31;
	s14 =	sadd.s32 s3, s14  }
.LBB2_1:
0x11: {  	[tilespmem:s17], [sflag:$0x1] =	stream.linear.gather [hbm4b:s9+s6], $0xC80, $0x38;
	[tilespmem:$0x1EB80] =	vst v63  }
0x12: {  	_ = 	snop  }
0x13: {  	[tilespmem:s18], [sflag:$0x1] =	stream.linear.gather [hbm4b:s10+s6], $0xC80, $0x38;
	[tilespmem:$0x1EB80] =	vst v63  }
0x14: {  	_ = 	snop  }
0x15: {  	[tilespmem:s19], [sflag:$0x1] =	stream.linear.gather [hbm4b:s11+s6], $0x1900, $0x38;
	[tilespmem:$0x1EB80] =	vst v63  }
0x16: {  	_ = 	snop  }
0x17: {  	[tilespmem:s20], [sflag:$0x2] =	stream.linear.gather [hbm4b:s12+s6], $0xC80, $0x38;
	[tilespmem:$0x1EB80] =	vst v63  }
0x18: {  	_ = 	snop  }
0x19: {  	[tilespmem:s21], [sflag:$0x2] =	stream.linear.gather [hbm4b:s13+s6], $0xC80, $0x38;
	[tilespmem:$0x1EB80] =	vst v63  }
0x1a: {  	_ = 	snop  }
0x1b: {  	[tilespmem:s22], [sflag:$0x2] =	stream.linear.gather [hbm4b:s14+s6], $0x1900, $0x38;
	[tilespmem:$0x1EB80] =	vst v63  }
0x1c: {  	s1 =	rddreg [dreg:$0x3]  }
0x1d: {  	[tilespmem:s6], [sflag:$0x3] =	stream.linear.gather [hbm4b:s1+s6], $0x18700, $0x38;
	[tilespmem:$0x1EB80] =	vst v63  }
0x1e: {  	_ =	swait.ge [sflag:s23], $0x18700  }
0x1f: {  	[sflag:s23] =	ssyncset.done $0x0  }
0x20: {  	v0 =	vimm.f32 $0.0e+00;
	s29 =	simm.s32 $0x0;
	[sflag:s23] =	ssyncadd.s32 $0xFFFE7900  }
.LBB2_2:
0x21: {  	_ =	swait.ge [sflag:s24], $0xC80  }
0x22: {  	[sflag:s24] =	ssyncset.done $0x0  }
0x23: {  	[sflag:s24] =	ssyncadd.s32 $0xFFFFF380  }
0x24: {  	_ =	swait.ge [sflag:s24], $0xC80  }
0x25: {  	[sflag:s24] =	ssyncset.done $0x0  }
0x26: {  	[sflag:s24] =	ssyncadd.s32 $0xFFFFF380  }
0x27: {  	_ =	swait.ge [sflag:s24], $0x1900  }
0x28: {  	[sflag:s24] =	ssyncset.done $0x0  }
0x29: {  	s1 =	simm.s32 $0x18740;
	[sflag:s24] =	ssyncadd.s32 $0xFFFFE700  }
0x2a: {  	s4 =	simm.s32 $0x1A040;
	v1 =	vld [tilespmem:s1+$0x30]  }
0x2b: {  	v2 =	vld [tilespmem:s4+$0x30]  }
0x2c: {  	v3 =	vld [tilespmem:s1+$0x20]  }
0x2d: {  	v4 =	vld [tilespmem:s4+$0x20]  }
0x2e: {  	v5 =	vld [tilespmem:s1+$0x10]  }
0x2f: {  	v6 =	vld [tilespmem:s4+$0x10]  }
0x30: {  	v7 =	vld [tilespmem:s1+$0x0]  }
0x31: {  	v8 =	vld [tilespmem:s4+$0x0]  }
0x32: {  	v9 =	vld [tilespmem:s1+$0xFFFFFFF0]  }
0x33: {  	s30 =	simm.s32 $0x1B940;
	v10 =	vld [tilespmem:s4+$0xFFFFFFF0]  }
0x34: {  	v11 =	vld [tilespmem:s30+$0x30]  }
0x35: {  	v12 =	vld [tilespmem:s1+$0xFFFFFFE0]  }
0x36: {  	v13 =	vld [tilespmem:s4+$0xFFFFFFE0]  }
0x37: {  	v14 =	vld [tilespmem:s30+$0x20]  }
0x38: {  	v15 =	vld [tilespmem:s1+$0xFFFFFFD0]  }
0x39: {  	v16 =	vld [tilespmem:s4+$0xFFFFFFD0]  }
0x3a: {  	v17 =	vld [tilespmem:s30+$0x10]  }
0x3b: {  	v18 =	vld [tilespmem:s1+$0xFFFFFFC0]  }
0x3c: {  	v19 =	vld [tilespmem:s4+$0xFFFFFFC0]  }
0x3d: {  	v20 =	vld [tilespmem:s30+$0x0]  }
0x3e: {  	v21 =	vld [tilespmem:s30+$0xFFFFFFF0]  }
0x3f: {  	v22 =	vld [tilespmem:s30+$0xFFFFFFE0]  }
0x40: {  	v23 =	vld [tilespmem:s30+$0xFFFFFFD0]  }
0x41: {  	v24 =	vld [tilespmem:s30+$0xFFFFFFC0]  }
0x42: {  	v11 =	vld.idx.msk [tilespmem:v11+s6+$0x0], $0xffff  }
0x43: {  	v14 =	vld.idx.msk [tilespmem:v14+s6+$0x0], $0xffff  }
0x44: {  	v17 =	vld.idx.msk [tilespmem:v17+s6+$0x0], $0xffff  }
0x45: {  	v20 =	vld.idx.msk [tilespmem:v20+s6+$0x0], $0xffff  }
0x46: {  	vm0 =	vne.s32 v2, $0x0;
	v2 =	vsub.f32 $1.000000000e+00, v1;
	v21 =	vld.idx.msk [tilespmem:v21+s6+$0x0], $0xffff  }
0x47: {  	v25 =	vsub.f32 $1.000000000e+00, v5;
	vm1 =	vne.s32 v4, $0x0;
	v4 =	vsub.f32 $1.000000000e+00, v3;
	v22 =	vld.idx.msk [tilespmem:v22+s6+$0x0], $0xffff  }
0x48: {  	vm2 =	vne.s32 v6, $0x0;
	vm3 =	vne.s32 v10, $0x0;
	vm4 =	vne.s32 v8, $0x0;
	v23 =	vld.idx.msk [tilespmem:v23+s6+$0x0], $0xffff  }
0x49: {  	v8 =	vsub.f32 $1.000000000e+00, v7;
	vm5 =	vne.s32 v13, $0x0;
	v10 =	vsub.f32 $1.000000000e+00, v9;
	v6 =	vld.idx.msk [tilespmem:v24+s6+$0x0], $0xffff  }
0x4a: {  	vm6 =	vne.s32 v16, $0x0;
	v13 =	vsub.f32 $1.000000000e+00, v15;
	v16 =	vsub.f32 $1.000000000e+00, v12  }
0x4b: {  	vm7 =	vne.s32 v19, $0x0;
	v19 =	vsub.f32 $1.000000000e+00, v18;
	vm8 =	vgt.f32 v11, $8.999999760e-01  }
0x4c: {  	vm9 =	vgt.f32 v20, $8.999999760e-01;
	vm10 =	vgt.f32 v17, $8.999999760e-01;
	vm11 =	vgt.f32 v14, $8.999999760e-01  }
0x4d: {  	vm12 =	vgt.f32 v23, $8.999999760e-01;
	vm13 =	vgt.f32 v22, $8.999999760e-01;
	vm14 =	vgt.f32 v21, $8.999999760e-01  }
0x4e: {  	vm15 =	vgt.f32 v6, $8.999999760e-01;
	vm1 =	vmand vm11, vm1;
	vm0 =	vmand vm8, vm0  }
0x4f: {  	vm3 =	vmand vm14, vm3;
	vm4 =	vmand vm9, vm4;
	vm2 =	vmand vm10, vm2  }
0x50: {  	vm7 =	vmand vm15, vm7;
	vm6 =	vmand vm12, vm6;
	vm5 =	vmand vm13, vm5  }
0x51: {  	v5 =	vsel vm2, v5, v25;
	v3 =	vsel vm1, v3, v4;
	v1 =	vsel vm0, v1, v2  }
0x52: {  	v2 =	vsel vm5, v12, v16;
	v4 =	vsel vm3, v9, v10;
	v6 =	vsel vm4, v7, v8  }
0x53: {  	v7 =	vsel vm7, v18, v19;
	v8 =	vsel vm6, v15, v13;
	v9 =	vshra.s32 v1, $0x17  }
0x54: {  	v10 =	vshra.s32 v6, $0x17;
	v11 =	vshra.s32 v5, $0x17;
	v12 =	vshra.s32 v3, $0x17  }
0x55: {  	v13 =	vshra.s32 v8, $0x17;
	v14 =	vshra.s32 v2, $0x17;
	v15 =	vshra.s32 v4, $0x17  }
0x56: {  	v16 =	vshra.s32 v7, $0x17;
	v3 =	vand.u32 $0x7FFFFF, v3;
	v17 =	vand.u32 $0x7FFFFF, v1  }
0x57: {  	v4 =	vand.u32 $0x7FFFFF, v4;
	v6 =	vand.u32 $0x7FFFFF, v6;
	v5 =	vand.u32 $0x7FFFFF, v5  }
0x58: {  	v7 =	vand.u32 $0x7FFFFF, v7;
	v8 =	vand.u32 $0x7FFFFF, v8;
	v2 =	vand.u32 $0x7FFFFF, v2  }
0x59: {  	v11 =	vadd.s32 $0xFFFFFF81, v11;
	v12 =	vadd.s32 $0xFFFFFF81, v12;
	v1 =	vadd.s32 $0xFFFFFF81, v9  }
0x5a: {  	v9 =	vadd.s32 $0xFFFFFF81, v14;
	v14 =	vadd.s32 $0xFFFFFF81, v15;
	v10 =	vadd.s32 $0xFFFFFF81, v10  }
0x5b: {  	v15 =	vadd.s32 $0xFFFFFF81, v16;
	v13 =	vadd.s32 $0xFFFFFF81, v13;
	v16 =	vor.u32 $0x3F800000, v17  }
0x5c: {  	v17 =	vor.u32 $0x3F800000, v6;
	v18 =	vor.u32 $0x3F800000, v5;
	v6 =	vor.u32 $0x3F800000, v3  }
0x5d: {  	v19 =	vor.u32 $0x3F800000, v2;
	v20 =	vor.u32 $0x3F800000, v4;
	v2 =	vcvt.s32.f32 v12  }
0x5e: {  	v21 =	vor.u32 $0x3F800000, v8;
	v5 =	vcvt.s32.f32 v10;
	v3 =	vcvt.s32.f32 v11  }
0x5f: {  	v22 =	vor.u32 $0x3F800000, v7;
	v8 =	vcvt.s32.f32 v9;
	v11 =	vcvt.s32.f32 v14  }
0x60: {  	v14 =	vcvt.s32.f32 v13;
	v6 =	vadd.f32 $-1.000000000e+00, v6;
	v4 =	vadd.f32 $-1.000000000e+00, v16  }
0x61: {  	v13 =	vcvt.s32.f32 v15;
	v10 =	vadd.f32 $-1.000000000e+00, v17;
	v7 =	vadd.f32 $-1.000000000e+00, v18  }
0x62: {  	v12 =	vadd.f32 $-1.000000000e+00, v20;
	v9 =	vmul.f32 $6.931471820e-01, v8;
	v8 =	vmul.f32 $6.931471820e-01, v11  }
0x63: {  	v15 =	vadd.f32 $-1.000000000e+00, v21;
	v13 =	vmul.f32 $6.931471820e-01, v13;
	v11 =	vmul.f32 $6.931471820e-01, v14  }
0x64: {  	v16 =	vadd.f32 $-1.000000000e+00, v22;
	v17 =	vmul.f32 $6.151470820e-03, v6;
	v18 =	vmul.f32 $6.151470820e-03, v4  }
0x65: {  	v14 =	vadd.f32 $-1.000000000e+00, v19;
	v19 =	vmul.f32 $6.151470820e-03, v10;
	v20 =	vmul.f32 $6.151470820e-03, v7  }
0x66: {  	v22 =	vmul.f32 $6.151470820e-03, v12;
	v23 =	vmul.f32 $6.151470820e-03, v15;
	v18 =	vsub.f32 $3.484971080e-02, v18  }
0x67: {  	v24 =	vmul.f32 $6.151470820e-03, v16;
	v20 =	vsub.f32 $3.484971080e-02, v20;
	v17 =	vsub.f32 $3.484971080e-02, v17  }
0x68: {  	v21 =	vmul.f32 $6.151470820e-03, v14;
	v22 =	vsub.f32 $3.484971080e-02, v22;
	v19 =	vsub.f32 $3.484971080e-02, v19  }
0x69: {  	v23 =	vsub.f32 $3.484971080e-02, v23;
	v17 =	vmul.f32 v17, v6;
	v18 =	vmul.f32 v18, v4  }
0x6a: {  	v24 =	vsub.f32 $3.484971080e-02, v24;
	v19 =	vmul.f32 v19, v10;
	v20 =	vmul.f32 v20, v7  }
0x6b: {  	v21 =	vsub.f32 $3.484971080e-02, v21;
	v22 =	vmul.f32 v22, v12;
	v23 =	vmul.f32 v23, v15  }
0x6c: {  	v24 =	vmul.f32 v24, v16;
	v17 =	vadd.f32 $-9.325204040e-02, v17;
	v18 =	vadd.f32 $-9.325204040e-02, v18  }
0x6d: {  	v21 =	vmul.f32 v21, v14;
	v19 =	vadd.f32 $-9.325204040e-02, v19;
	v20 =	vadd.f32 $-9.325204040e-02, v20  }
0x6e: {  	v22 =	vadd.f32 $-9.325204040e-02, v22;
	v24 =	vadd.f32 $-9.325204040e-02, v24;
	v18 =	vmul.f32 v18, v4  }
0x6f: {  	v23 =	vadd.f32 $-9.325204040e-02, v23;
	v20 =	vmul.f32 v20, v7;
	v17 =	vmul.f32 v17, v6  }
0x70: {  	v21 =	vadd.f32 $-9.325204040e-02, v21;
	v22 =	vmul.f32 v22, v12;
	v19 =	vmul.f32 v19, v10  }
0x71: {  	v24 =	vmul.f32 v24, v16;
	v17 =	vadd.f32 $1.658227590e-01, v17;
	v18 =	vadd.f32 $1.658227590e-01, v18  }
0x72: {  	v23 =	vmul.f32 v23, v15;
	v19 =	vadd.f32 $1.658227590e-01, v19;
	v20 =	vadd.f32 $1.658227590e-01, v20  }
0x73: {  	v21 =	vmul.f32 v21, v14;
	v24 =	vadd.f32 $1.658227590e-01, v24;
	v22 =	vadd.f32 $1.658227590e-01, v22  }
0x74: {  	v23 =	vadd.f32 $1.658227590e-01, v23;
	v17 =	vmul.f32 v17, v6;
	v18 =	vmul.f32 v18, v4  }
0x75: {  	v26 =	vadd.f32 $1.658227590e-01, v21;
	v24 =	vmul.f32 v24, v16;
	v20 =	vmul.f32 v20, v7  }
0x76: {  	v21 =	vmul.f32 v22, v12;
	v19 =	vmul.f32 v19, v10;
	v18 =	vadd.f32 $-2.398261580e-01, v18  }
0x77: {  	v25 =	vmul.f32 v23, v15;
	v24 =	vadd.f32 $-2.398261580e-01, v24;
	v22 =	vadd.f32 $-2.398261580e-01, v17  }
0x78: {  	s31 =	simm.s32 $0x0;
	s1 =	simm.s32 $0x187C0;
	v23 =	vmul.f32 v26, v14;
	v19 =	vadd.f32 $-2.398261580e-01, v19;
	v20 =	vadd.f32 $-2.398261580e-01, v20  }
.LBB2_3:
0x79: {  	v17 =	vld [tilespmem:s1+$0x30];
	v26 =	vmul.f32 v24, v16;
	v25 =	vadd.f32 $-2.398261580e-01, v25;
	v21 =	vadd.f32 $-2.398261580e-01, v21;
	s4 =	sadd.s32 $0x80, s4  }
0x7a: {  	v22 =	vmul.f32 v22, v6;
	v28 =	vmul.f32 v18, v4;
	v24 =	vld [tilespmem:s4+$0x30];
	v27 =	vadd.f32 $-2.398261580e-01, v23  }
0x7b: {  	v20 =	vmul.f32 v20, v7;
	v18 =	vld [tilespmem:s1+$0x20];
	v26 =	vadd.f32 $3.315486310e-01, v26;
	v25 =	vmul.f32 v25, v15  }
0x7c: {  	v29 =	vmul.f32 v19, v10;
	v28 =	vadd.f32 $3.315486310e-01, v28;
	v23 =	vld [tilespmem:s4+$0x20];
	v27 =	vmul.f32 v27, v14  }
0x7d: {  	v22 =	vadd.f32 $3.315486310e-01, v22;
	v19 =	vld [tilespmem:s1+$0x10];
	v26 =	vmul.f32 v26, v16;
	v25 =	vadd.f32 $3.315486310e-01, v25  }
0x7e: {  	v21 =	vmul.f32 v21, v12;
	v31 =	vadd.f32 $3.315486310e-01, v20;
	v30 =	vld [tilespmem:s4+$0x10];
	v27 =	vadd.f32 $3.315486310e-01, v27  }
0x7f: {  	v29 =	vadd.f32 $3.315486310e-01, v29;
	v20 =	vld [tilespmem:s1+$0x0];
	v26 =	vadd.f32 $-4.998385610e-01, v26;
	v25 =	vmul.f32 v25, v15  }
0x80: {  	v33 =	vadd.f32 $3.315486310e-01, v21;
	v28 =	vmul.f32 v28, v4;
	v32 =	vld [tilespmem:s4+$0x0];
	v27 =	vmul.f32 v27, v14  }
0x81: {  	v34 =	vmul.f32 v22, v6;
	v21 =	vld [tilespmem:s1+$0xFFFFFFF0];
	v26 =	vmul.f32 v26, v16;
	v25 =	vadd.f32 $-4.998385610e-01, v25  }
0x82: {  	s30 =	sadd.s32 $0x100, s30;
	v31 =	vmul.f32 v31, v7;
	v33 =	vmul.f32 v33, v12;
	v35 =	vld [tilespmem:s4+$0xFFFFFFF0];
	v27 =	vadd.f32 $-4.998385610e-01, v27  }
0x83: {  	v29 =	vmul.f32 v29, v10;
	v36 =	vld [tilespmem:s30+$0x30];
	v26 =	vadd.f32 $9.999942770e-01, v26;
	v25 =	vmul.f32 v25, v15  }
0x84: {  	v28 =	vadd.f32 $-4.998385610e-01, v28;
	v33 =	vadd.f32 $-4.998385610e-01, v33;
	v22 =	vld [tilespmem:s1+$0xFFFFFFE0];
	v27 =	vmul.f32 v27, v14  }
0x85: {  	v34 =	vadd.f32 $-4.998385610e-01, v34;
	v37 =	vld [tilespmem:s4+$0xFFFFFFE0];
	v26 =	vmul.f32 v26, v16;
	v25 =	vadd.f32 $9.999942770e-01, v25  }
0x86: {  	v29 =	vadd.f32 $-4.998385610e-01, v29;
	v33 =	vmul.f32 v33, v12;
	v38 =	vld [tilespmem:s30+$0x20];
	v27 =	vadd.f32 $9.999942770e-01, v27  }
0x87: {  	v16 =	vld [tilespmem:s1+$0xFFFFFFD0];
	v26 =	vadd.f32 $3.386965370e-08, v26;
	v15 =	vmul.f32 v25, v15;
	v25 =	vadd.f32 $-4.998385610e-01, v31  }
0x88: {  	v29 =	vmul.f32 v29, v10;
	v31 =	vld [tilespmem:s4+$0xFFFFFFD0];
	v14 =	vmul.f32 v27, v14;
	v27 =	vadd.f32 $9.999942770e-01, v33  }
0x89: {  	v33 =	vld [tilespmem:s30+$0x10];
	v13 =	vadd.f32 v26, v13;
	v15 =	vadd.f32 $3.386965370e-08, v15;
	v25 =	vmul.f32 v25, v7  }
0x8a: {  	v26 =	vld [tilespmem:s1+$0xFFFFFFC0];
	v14 =	vadd.f32 $3.386965370e-08, v14;
	v12 =	vmul.f32 v27, v12;
	v27 =	vadd.f32 $9.999942770e-01, v29  }
0x8b: {  	v29 =	vld [tilespmem:s4+$0xFFFFFFC0];
	v0 =	vsub.f32 v0, v13;
	v11 =	vadd.f32 v15, v11;
	v13 =	vmul.f32 v34, v6  }
0x8c: {  	v25 =	vadd.f32 $9.999942770e-01, v25;
	v15 =	vld [tilespmem:s30+$0x0];
	v12 =	vadd.f32 $3.386965370e-08, v12;
	v10 =	vmul.f32 v27, v10  }
0x8d: {  	v9 =	vadd.f32 v14, v9;
	v27 =	vld [tilespmem:s30+$0xFFFFFFF0];
	v0 =	vsub.f32 v0, v11;
	v11 =	vmul.f32 v28, v4  }
0x8e: {  	v7 =	vmul.f32 v25, v7;
	v13 =	vadd.f32 $9.999942770e-01, v13;
	v14 =	vld [tilespmem:s30+$0xFFFFFFE0];
	v10 =	vadd.f32 $3.386965370e-08, v10  }
0x8f: {  	v5 =	vmul.f32 $6.931471820e-01, v5;
	v8 =	vadd.f32 v12, v8;
	v25 =	vld [tilespmem:s30+$0xFFFFFFD0];
	v0 =	vsub.f32 v0, v9  }
0x90: {  	v7 =	vadd.f32 $3.386965370e-08, v7;
	v6 =	vmul.f32 v13, v6;
	v11 =	vadd.f32 $9.999942770e-01, v11;
	v9 =	vld [tilespmem:s30+$0xFFFFFFC0]  }
0x91: {  	v3 =	vmul.f32 $6.931471820e-01, v3;
	v5 =	vadd.f32 v10, v5;
	v12 =	vld.idx.msk [tilespmem:v36+s6+$0x0], $0xffff;
	v0 =	vsub.f32 v0, v8  }
0x92: {  	v1 =	vcvt.s32.f32 v1;
	v6 =	vadd.f32 $3.386965370e-08, v6;
	v4 =	vmul.f32 v11, v4;
	v8 =	vld.idx.msk [tilespmem:v38+s6+$0x0], $0xffff  }
0x93: {  	v2 =	vmul.f32 $6.931471820e-01, v2;
	v3 =	vadd.f32 v7, v3;
	v10 =	vld.idx.msk [tilespmem:v33+s6+$0x0], $0xffff;
	v0 =	vsub.f32 v0, v5  }
0x94: {  	vm0 =	vne.s32 v24, $0x0;
	v7 =	vsub.f32 $1.000000000e+00, v17;
	v4 =	vadd.f32 $3.386965370e-08, v4;
	v5 =	vld.idx.msk [tilespmem:v15+s6+$0x0], $0xffff  }
0x95: {  	v1 =	vmul.f32 $6.931471820e-01, v1;
	v2 =	vadd.f32 v6, v2;
	v11 =	vld.idx.msk [tilespmem:v27+s6+$0x0], $0xffff;
	v0 =	vsub.f32 v0, v3  }
0x96: {  	vm2 =	vne.s32 v23, $0x0;
	v13 =	vsub.f32 $1.000000000e+00, v18;
	v6 =	vsub.f32 $1.000000000e+00, v19;
	v3 =	vld.idx.msk [tilespmem:v14+s6+$0x0], $0xffff  }
0x97: {  	vm1 =	vne.s32 v30, $0x0;
	v1 =	vadd.f32 v4, v1;
	v14 =	vld.idx.msk [tilespmem:v25+s6+$0x0], $0xffff;
	v0 =	vsub.f32 v0, v2  }
0x98: {  	vm4 =	vne.s32 v32, $0x0;
	vm3 =	vne.s32 v35, $0x0;
	v4 =	vsub.f32 $1.000000000e+00, v20;
	v2 =	vld.idx.msk [tilespmem:v9+s6+$0x0], $0xffff  }
0x99: {  	vm5 =	vne.s32 v37, $0x0;
	v9 =	vsub.f32 $1.000000000e+00, v21;
	v0 =	vsub.f32 v0, v1  }
0x9a: {  	vm6 =	vne.s32 v31, $0x0;
	v15 =	vsub.f32 $1.000000000e+00, v22;
	v1 =	vsub.f32 $1.000000000e+00, v16  }
0x9b: {  	v23 =	vsub.f32 $1.000000000e+00, v26;
	vm7 =	vne.s32 v29, $0x0;
	vm8 =	vgt.f32 v12, $8.999999760e-01  }
0x9c: {  	vm11 =	vgt.f32 v8, $8.999999760e-01;
	vm10 =	vgt.f32 v10, $8.999999760e-01;
	vm9 =	vgt.f32 v5, $8.999999760e-01  }
0x9d: {  	vm14 =	vgt.f32 v11, $8.999999760e-01;
	vm13 =	vgt.f32 v3, $8.999999760e-01;
	vm12 =	vgt.f32 v14, $8.999999760e-01  }
0x9e: {  	vm0 =	vmand vm8, vm0;
	vm2 =	vmand vm11, vm2;
	vm15 =	vgt.f32 v2, $8.999999760e-01  }
0x9f: {  	vm1 =	vmand vm10, vm1;
	vm4 =	vmand vm9, vm4;
	vm3 =	vmand vm14, vm3  }
0xa0: {  	vm5 =	vmand vm13, vm5;
	vm6 =	vmand vm12, vm6;
	vm7 =	vmand vm15, vm7  }
0xa1: {  	v5 =	vsel vm0, v17, v7;
	v3 =	vsel vm2, v18, v13;
	v2 =	vsel vm1, v19, v6  }
0xa2: {  	v4 =	vsel vm4, v20, v4;
	v7 =	vsel vm3, v21, v9;
	v6 =	vsel vm5, v22, v15  }
0xa3: {  	v9 =	vshra.s32 v5, $0x17;
	v1 =	vsel vm6, v16, v1;
	v8 =	vsel vm7, v26, v23  }
0xa4: {  	s31 =	sadd.s32 $0x80, s31;
	v10 =	vshra.s32 v4, $0x17;
	v12 =	vshra.s32 v3, $0x17;
	v11 =	vshra.s32 v2, $0x17  }
0xa5: {  	p0 =	slt.u32 s31, $0xC00;
	v15 =	vshra.s32 v7, $0x17;
	v14 =	vshra.s32 v6, $0x17;
	v13 =	vshra.s32 v1, $0x17  }
0xa6: {  	v3 =	vand.u32 $0x7FFFFF, v3;
	v5 =	vand.u32 $0x7FFFFF, v5;
	v16 =	vshra.s32 v8, $0x17  }
0xa7: {  	v4 =	vand.u32 $0x7FFFFF, v4;
	v7 =	vand.u32 $0x7FFFFF, v7;
	v2 =	vand.u32 $0x7FFFFF, v2  }
0xa8: {  	v6 =	vand.u32 $0x7FFFFF, v6;
	v17 =	vand.u32 $0x7FFFFF, v1;
	v8 =	vand.u32 $0x7FFFFF, v8  }
0xa9: {  	v12 =	vadd.s32 $0xFFFFFF81, v12;
	v11 =	vadd.s32 $0xFFFFFF81, v11;
	v1 =	vadd.s32 $0xFFFFFF81, v9  }
0xaa: {  	v10 =	vadd.s32 $0xFFFFFF81, v10;
	v9 =	vadd.s32 $0xFFFFFF81, v14;
	v14 =	vadd.s32 $0xFFFFFF81, v15  }
0xab: {  	v13 =	vadd.s32 $0xFFFFFF81, v13;
	v15 =	vadd.s32 $0xFFFFFF81, v16;
	v16 =	vor.u32 $0x3F800000, v5  }
0xac: {  	v18 =	vor.u32 $0x3F800000, v4;
	v4 =	vor.u32 $0x3F800000, v3;
	v19 =	vor.u32 $0x3F800000, v2  }
0xad: {  	v21 =	vor.u32 $0x3F800000, v7;
	v20 =	vor.u32 $0x3F800000, v6;
	v2 =	vcvt.s32.f32 v12  }
0xae: {  	v17 =	vor.u32 $0x3F800000, v17;
	v3 =	vcvt.s32.f32 v11;
	v5 =	vcvt.s32.f32 v10  }
0xaf: {  	v11 =	vcvt.s32.f32 v14;
	v22 =	vor.u32 $0x3F800000, v8;
	v8 =	vcvt.s32.f32 v9  }
0xb0: {  	v6 =	vadd.f32 $-1.000000000e+00, v4;
	v14 =	vcvt.s32.f32 v13;
	v4 =	vadd.f32 $-1.000000000e+00, v16  }
0xb1: {  	v7 =	vadd.f32 $-1.000000000e+00, v19;
	v10 =	vadd.f32 $-1.000000000e+00, v18;
	v13 =	vcvt.s32.f32 v15  }
0xb2: {  	v12 =	vadd.f32 $-1.000000000e+00, v21;
	v9 =	vmul.f32 $6.931471820e-01, v8;
	v8 =	vmul.f32 $6.931471820e-01, v11  }
0xb3: {  	v11 =	vmul.f32 $6.931471820e-01, v14;
	v14 =	vadd.f32 $-1.000000000e+00, v20;
	v13 =	vmul.f32 $6.931471820e-01, v13  }
0xb4: {  	v15 =	vadd.f32 $-1.000000000e+00, v17;
	v17 =	vmul.f32 $6.151470820e-03, v6;
	v18 =	vmul.f32 $6.151470820e-03, v4  }
0xb5: {  	v16 =	vadd.f32 $-1.000000000e+00, v22;
	v19 =	vmul.f32 $6.151470820e-03, v10;
	v20 =	vmul.f32 $6.151470820e-03, v7  }
0xb6: {  	v22 =	vmul.f32 $6.151470820e-03, v12;
	v21 =	vmul.f32 $6.151470820e-03, v14;
	v18 =	vsub.f32 $3.484971080e-02, v18  }
0xb7: {  	v23 =	vmul.f32 $6.151470820e-03, v15;
	v17 =	vsub.f32 $3.484971080e-02, v17;
	v20 =	vsub.f32 $3.484971080e-02, v20  }
0xb8: {  	v24 =	vmul.f32 $6.151470820e-03, v16;
	v22 =	vsub.f32 $3.484971080e-02, v22;
	v19 =	vsub.f32 $3.484971080e-02, v19  }
0xb9: {  	v17 =	vmul.f32 v17, v6;
	v21 =	vsub.f32 $3.484971080e-02, v21;
	v18 =	vmul.f32 v18, v4  }
0xba: {  	v23 =	vsub.f32 $3.484971080e-02, v23;
	v19 =	vmul.f32 v19, v10;
	v20 =	vmul.f32 v20, v7  }
0xbb: {  	v24 =	vsub.f32 $3.484971080e-02, v24;
	v22 =	vmul.f32 v22, v12;
	v21 =	vmul.f32 v21, v14  }
0xbc: {  	v23 =	vmul.f32 v23, v15;
	v17 =	vadd.f32 $-9.325204040e-02, v17;
	v18 =	vadd.f32 $-9.325204040e-02, v18  }
0xbd: {  	v24 =	vmul.f32 v24, v16;
	v19 =	vadd.f32 $-9.325204040e-02, v19;
	v20 =	vadd.f32 $-9.325204040e-02, v20  }
0xbe: {  	v22 =	vadd.f32 $-9.325204040e-02, v22;
	v21 =	vadd.f32 $-9.325204040e-02, v21;
	v18 =	vmul.f32 v18, v4  }
0xbf: {  	v24 =	vadd.f32 $-9.325204040e-02, v24;
	v17 =	vmul.f32 v17, v6;
	v20 =	vmul.f32 v20, v7  }
0xc0: {  	v23 =	vadd.f32 $-9.325204040e-02, v23;
	v22 =	vmul.f32 v22, v12;
	v19 =	vmul.f32 v19, v10  }
0xc1: {  	v24 =	vmul.f32 v24, v16;
	v17 =	vadd.f32 $1.658227590e-01, v17;
	v18 =	vadd.f32 $1.658227590e-01, v18  }
0xc2: {  	v21 =	vmul.f32 v21, v14;
	v19 =	vadd.f32 $1.658227590e-01, v19;
	v20 =	vadd.f32 $1.658227590e-01, v20  }
0xc3: {  	v23 =	vmul.f32 v23, v15;
	v22 =	vadd.f32 $1.658227590e-01, v22;
	v24 =	vadd.f32 $1.658227590e-01, v24  }
.Ltmp0:
0xc4: {  	v17 =	vmul.f32 v17, v6;
	v26 =	vadd.f32 $1.658227590e-01, v21;
	v18 =	vmul.f32 v18, v4;
	(pc) =	sbr.rel @p0 .LBB2_3-.Ltmp0, $4  }
0xc5: {  	v23 =	vadd.f32 $1.658227590e-01, v23;
	v20 =	vmul.f32 v20, v7;
	v24 =	vmul.f32 v24, v16  }
0xc6: {  	v21 =	vmul.f32 v22, v12;
	v19 =	vmul.f32 v19, v10;
	v18 =	vadd.f32 $-2.398261580e-01, v18  }
0xc7: {  	v25 =	vmul.f32 v23, v15;
	v22 =	vadd.f32 $-2.398261580e-01, v17;
	v24 =	vadd.f32 $-2.398261580e-01, v24  }
0xc8: {  	s1 =	sadd.s32 $0x80, s1;
	v23 =	vmul.f32 v26, v14;
	v19 =	vadd.f32 $-2.398261580e-01, v19;
	v20 =	vadd.f32 $-2.398261580e-01, v20  }
0xc9: {  	s29 =	sadd.s32 $0x1, s29  }
0xca: {  	p0 =	seq.s32 s29, s8;
	s1 =	sshll.u32 s29, $0x5  }
0xcb: {  	s1 =	simm.s32 @p0 $0x0  }
0xcc: {  	s1 =	sor.u32 s7, s1  }
0xcd: {  	s30 =	smul.u32 $0x1900, s1;
	_ =	sdelay $0x1  }
0xce: {  	s4 =	sshrl.u32 s30, $0x3  }
0xcf: {  	s1 =	smul.u32 $0x3200, s1;
	s5 =	sadd.s32 s0, s4  }
0xd0: {  	[tilespmem:s17], [sflag:$0x1] =	stream.linear.gather [hbm4b:s5+s6], $0xC80, $0x38;
	[tilespmem:$0x1EB80] =	vst v63  }
0xd1: {  	s1 =	sshrl.u32 s1, $0x3;
	s4 =	sadd.s32 s2, s4  }
0xd2: {  	[tilespmem:s18], [sflag:$0x1] =	stream.linear.gather [hbm4b:s4+s6], $0xC80, $0x38;
	[tilespmem:$0x1EB80] =	vst v63  }
0xd3: {  	s1 =	sadd.s32 s3, s1  }
0xd4: {  	[tilespmem:s19], [sflag:$0x1] =	stream.linear.gather [hbm4b:s1+s6], $0x1900, $0x38;
	[tilespmem:$0x1EB80] =	vst v63  }
0xd5: {  	_ =	swait.ge [sflag:s25], $0xC80  }
0xd6: {  	[sflag:s25] =	ssyncset.done $0x0  }
0xd7: {  	v17 =	vmul.f32 v24, v16;
	v24 =	vadd.f32 $-2.398261580e-01, v25;
	[sflag:s25] =	ssyncadd.s32 $0xFFFFF380  }
0xd8: {  	v23 =	vadd.f32 $-2.398261580e-01, v23;
	_ =	swait.ge [sflag:s25], $0xC80  }
0xd9: {  	v17 =	vadd.f32 $3.315486310e-01, v17;
	v24 =	vmul.f32 v24, v15;
	[sflag:s25] =	ssyncset.done $0x0  }
0xda: {  	v21 =	vadd.f32 $-2.398261580e-01, v21;
	v22 =	vmul.f32 v22, v6;
	v23 =	vmul.f32 v23, v14;
	[sflag:s25] =	ssyncadd.s32 $0xFFFFF380  }
0xdb: {  	v18 =	vmul.f32 v18, v4;
	v17 =	vmul.f32 v17, v16;
	v24 =	vadd.f32 $3.315486310e-01, v24;
	_ =	swait.ge [sflag:s25], $0x1900  }
0xdc: {  	v20 =	vmul.f32 v20, v7;
	v21 =	vmul.f32 v21, v12;
	v23 =	vadd.f32 $3.315486310e-01, v23;
	[sflag:s25] =	ssyncset.done $0x0  }
0xdd: {  	v19 =	vmul.f32 v19, v10;
	v25 =	vadd.f32 $-4.998385610e-01, v17;
	v24 =	vmul.f32 v24, v15;
	s5 =	simm.s32 $0x193C0;
	[sflag:s25] =	ssyncadd.s32 $0xFFFFE700  }
0xde: {  	s31 =	simm.s32 $0x1ACC0;
	v18 =	vadd.f32 $3.315486310e-01, v18;
	v21 =	vadd.f32 $3.315486310e-01, v21;
	v23 =	vmul.f32 v23, v14;
	v17 =	vld [tilespmem:s5+$0x30]  }
0xdf: {  	v19 =	vadd.f32 $3.315486310e-01, v19;
	v25 =	vmul.f32 v25, v16;
	v24 =	vadd.f32 $-4.998385610e-01, v24;
	v26 =	vld [tilespmem:s31+$0x30]  }
0xe0: {  	v20 =	vadd.f32 $3.315486310e-01, v20;
	v21 =	vmul.f32 v21, v12;
	v23 =	vadd.f32 $-4.998385610e-01, v23;
	v27 =	vld [tilespmem:s5+$0x20]  }
0xe1: {  	v19 =	vmul.f32 v19, v10;
	v25 =	vadd.f32 $9.999942770e-01, v25;
	v24 =	vmul.f32 v24, v15;
	v28 =	vld [tilespmem:s31+$0x20]  }
0xe2: {  	v20 =	vmul.f32 v20, v7;
	v21 =	vadd.f32 $-4.998385610e-01, v21;
	v23 =	vmul.f32 v23, v14;
	v29 =	vld [tilespmem:s5+$0x10]  }
0xe3: {  	v19 =	vadd.f32 $-4.998385610e-01, v19;
	v16 =	vmul.f32 v25, v16;
	v24 =	vadd.f32 $9.999942770e-01, v24;
	v25 =	vld [tilespmem:s31+$0x10]  }
0xe4: {  	v20 =	vadd.f32 $-4.998385610e-01, v20;
	v21 =	vmul.f32 v21, v12;
	v23 =	vadd.f32 $9.999942770e-01, v23;
	v30 =	vld [tilespmem:s5+$0x0]  }
0xe5: {  	v19 =	vmul.f32 v19, v10;
	v16 =	vadd.f32 $3.386965370e-08, v16;
	v15 =	vmul.f32 v24, v15;
	v24 =	vld [tilespmem:s31+$0x0]  }
0xe6: {  	v22 =	vadd.f32 $3.315486310e-01, v22;
	v21 =	vadd.f32 $9.999942770e-01, v21;
	v14 =	vmul.f32 v23, v14;
	v23 =	vld [tilespmem:s5+$0xFFFFFFF0]  }
0xe7: {  	v20 =	vmul.f32 v20, v7;
	s4 =	simm.s32 $0x1D240;
	v19 =	vadd.f32 $9.999942770e-01, v19;
	v13 =	vadd.f32 v16, v13;
	v16 =	vld [tilespmem:s31+$0xFFFFFFF0]  }
0xe8: {  	v22 =	vmul.f32 v22, v6;
	v12 =	vmul.f32 v21, v12;
	v15 =	vadd.f32 $3.386965370e-08, v15;
	v21 =	vld [tilespmem:s4+$0x30]  }
0xe9: {  	v10 =	vmul.f32 v19, v10;
	v19 =	vadd.f32 $9.999942770e-01, v20;
	v0 =	vsub.f32 v0, v13;
	v13 =	vld [tilespmem:s5+$0xFFFFFFE0]  }
0xea: {  	v5 =	vmul.f32 $6.931471820e-01, v5;
	v14 =	vadd.f32 $3.386965370e-08, v14;
	v11 =	vadd.f32 v15, v11;
	v15 =	vld [tilespmem:s31+$0xFFFFFFE0]  }
0xeb: {  	v18 =	vmul.f32 v18, v4;
	v22 =	vadd.f32 $-4.998385610e-01, v22;
	v10 =	vadd.f32 $3.386965370e-08, v10;
	v20 =	vld [tilespmem:s4+$0x20]  }
0xec: {  	v7 =	vmul.f32 v19, v7;
	v9 =	vadd.f32 v14, v9;
	v0 =	vsub.f32 v0, v11;
	v11 =	vld [tilespmem:s5+$0xFFFFFFD0]  }
0xed: {  	v12 =	vadd.f32 $3.386965370e-08, v12;
	v14 =	vadd.f32 $-4.998385610e-01, v18;
	v18 =	vmul.f32 v22, v6;
	v22 =	vld [tilespmem:s31+$0xFFFFFFD0]  }
0xee: {  	v3 =	vmul.f32 $6.931471820e-01, v3;
	v7 =	vadd.f32 $3.386965370e-08, v7;
	v0 =	vsub.f32 v0, v9;
	v9 =	vld [tilespmem:s4+$0x10]  }
0xef: {  	v8 =	vadd.f32 v12, v8;
	v12 =	vmul.f32 v14, v4;
	v14 =	vadd.f32 $9.999942770e-01, v18;
	v18 =	vld [tilespmem:s5+$0xFFFFFFC0]  }
0xf0: {  	v5 =	vadd.f32 v10, v5;
	v10 =	vld [tilespmem:s4+$0x0]  }
0xf1: {  	v3 =	vadd.f32 v7, v3;
	v7 =	vld [tilespmem:s4+$0xFFFFFFD0];
	v0 =	vsub.f32 v0, v8  }
0xf2: {  	v6 =	vmul.f32 v14, v6;
	v14 =	vld [tilespmem:s4+$0xFFFFFFF0]  }
0xf3: {  	v12 =	vadd.f32 $9.999942770e-01, v12;
	v8 =	vld [tilespmem:s31+$0xFFFFFFC0];
	v0 =	vsub.f32 v0, v5  }
0xf4: {  	v2 =	vmul.f32 $6.931471820e-01, v2;
	v6 =	vadd.f32 $3.386965370e-08, v6;
	v5 =	vld [tilespmem:s4+$0xFFFFFFE0]  }
0xf5: {  	v1 =	vcvt.s32.f32 v1;
	v4 =	vmul.f32 v12, v4;
	v0 =	vsub.f32 v0, v3;
	v3 =	vld [tilespmem:s4+$0xFFFFFFC0]  }
0xf6: {  	v2 =	vadd.f32 v6, v2;
	v6 =	vld.idx.msk [tilespmem:v21+s6+$0x0], $0xffff  }
0xf7: {  	v1 =	vmul.f32 $6.931471820e-01, v1;
	v4 =	vadd.f32 $3.386965370e-08, v4;
	v12 =	vld.idx.msk [tilespmem:v20+s6+$0x0], $0xffff  }
0xf8: {  	vm0 =	vne.s32 v26, $0x0;
	v0 =	vsub.f32 v0, v2;
	v2 =	vld.idx.msk [tilespmem:v9+s6+$0x0], $0xffff  }
0xf9: {  	vm1 =	vne.s32 v28, $0x0;
	vm2 =	vne.s32 v25, $0x0;
	v1 =	vadd.f32 v4, v1;
	v4 =	vld.idx.msk [tilespmem:v10+s6+$0x0], $0xffff  }
0xfa: {  	vm3 =	vne.s32 v16, $0x0;
	vm4 =	vne.s32 v24, $0x0;
	v16 =	vsub.f32 $1.000000000e+00, v30;
	v7 =	vld.idx.msk [tilespmem:v7+s6+$0x0], $0xffff  }
0xfb: {  	vm5 =	vne.s32 v15, $0x0;
	v15 =	vsub.f32 $1.000000000e+00, v23;
	v19 =	vsub.f32 $1.000000000e+00, v11;
	v9 =	vld.idx.msk [tilespmem:v14+s6+$0x0], $0xffff  }
0xfc: {  	vm7 =	vne.s32 v8, $0x0;
	v8 =	vsub.f32 $1.000000000e+00, v18;
	v10 =	vsub.f32 $1.000000000e+00, v29  }
0xfd: {  	vm6 =	vne.s32 v22, $0x0;
	v20 =	vsub.f32 $1.000000000e+00, v13;
	v14 =	vsub.f32 $1.000000000e+00, v27  }
0xfe: {  	v0 =	vsub.f32 v0, v1;
	v1 =	vsub.f32 $1.000000000e+00, v17;
	vm8 =	vgt.f32 v6, $8.999999760e-01  }
0xff: {  	vm9 =	vgt.f32 v4, $8.999999760e-01;
	vm10 =	vgt.f32 v2, $8.999999760e-01;
	vm11 =	vgt.f32 v12, $8.999999760e-01  }
0x100: {  	v5 =	vld.idx.msk [tilespmem:v5+s6+$0x0], $0xffff;
	vm12 =	vgt.f32 v7, $8.999999760e-01;
	vm14 =	vgt.f32 v9, $8.999999760e-01;
	vm1 =	vmand vm11, vm1  }
0x101: {  	vm0 =	vmand vm8, vm0;
	vm4 =	vmand vm9, vm4;
	vm2 =	vmand vm10, vm2  }
0x102: {  	v3 =	vld.idx.msk [tilespmem:v3+s6+$0x0], $0xffff;
	vm6 =	vmand vm12, vm6;
	vm3 =	vmand vm14, vm3;
	v1 =	vsel vm0, v17, v1  }
0x103: {  	v2 =	vsel vm2, v29, v10;
	v6 =	vsel vm4, v30, v16;
	v9 =	vshra.s32 v1, $0x17  }
0x104: {  	v10 =	vshra.s32 v6, $0x17;
	v17 =	vand.u32 $0x7FFFFF, v1;
	v6 =	vand.u32 $0x7FFFFF, v6  }
0x105: {  	vm13 =	vgt.f32 v5, $8.999999760e-01;
	v5 =	vsel vm3, v23, v15;
	v1 =	vadd.s32 $0xFFFFFF81, v9  }
0x106: {  	v10 =	vadd.s32 $0xFFFFFF81, v10;
	vm5 =	vmand vm13, vm5;
	v15 =	vshra.s32 v5, $0x17  }
0x107: {  	v5 =	vand.u32 $0x7FFFFF, v5;
	vm15 =	vgt.f32 v3, $8.999999760e-01;
	v3 =	vsel vm1, v27, v14  }
0x108: {  	v4 =	vsel vm5, v13, v20;
	v20 =	vor.u32 $0x3F800000, v5;
	v5 =	vcvt.s32.f32 v10  }
0x109: {  	vm7 =	vmand vm15, vm7;
	v12 =	vshra.s32 v3, $0x17;
	v14 =	vshra.s32 v4, $0x17  }
0x10a: {  	v3 =	vand.u32 $0x7FFFFF, v3;
	v4 =	vand.u32 $0x7FFFFF, v4;
	v7 =	vsel vm7, v18, v8  }
0x10b: {  	v8 =	vsel vm6, v11, v19;
	v11 =	vshra.s32 v2, $0x17;
	v2 =	vand.u32 $0x7FFFFF, v2  }
0x10c: {  	v12 =	vadd.s32 $0xFFFFFF81, v12;
	v9 =	vadd.s32 $0xFFFFFF81, v14;
	v14 =	vadd.s32 $0xFFFFFF81, v15  }
0x10d: {  	v19 =	vor.u32 $0x3F800000, v4;
	v13 =	vshra.s32 v8, $0x17;
	v16 =	vshra.s32 v7, $0x17  }
0x10e: {  	v7 =	vand.u32 $0x7FFFFF, v7;
	v8 =	vand.u32 $0x7FFFFF, v8;
	v11 =	vadd.s32 $0xFFFFFF81, v11  }
0x10f: {  	v18 =	vor.u32 $0x3F800000, v2;
	v2 =	vcvt.s32.f32 v12;
	v12 =	vadd.f32 $-1.000000000e+00, v20  }
0x110: {  	v15 =	vadd.s32 $0xFFFFFF81, v16;
	v13 =	vadd.s32 $0xFFFFFF81, v13;
	v16 =	vor.u32 $0x3F800000, v17  }
0x111: {  	v17 =	vor.u32 $0x3F800000, v6;
	v6 =	vor.u32 $0x3F800000, v3;
	v21 =	vor.u32 $0x3F800000, v8  }
0x112: {  	v3 =	vcvt.s32.f32 v11;
	v22 =	vor.u32 $0x3F800000, v7;
	v7 =	vcvt.s32.f32 v9  }
0x113: {  	v11 =	vcvt.s32.f32 v14;
	v8 =	vadd.f32 $-1.000000000e+00, v18;
	v14 =	vcvt.s32.f32 v13  }
0x114: {  	v6 =	vadd.f32 $-1.000000000e+00, v6;
	v4 =	vadd.f32 $-1.000000000e+00, v16;
	v13 =	vcvt.s32.f32 v15  }
0x115: {  	v16 =	vadd.f32 $-1.000000000e+00, v22;
	v22 =	vmul.f32 $6.151470820e-03, v12;
	v9 =	vmul.f32 $6.931471820e-01, v7  }
0x116: {  	v10 =	vadd.f32 $-1.000000000e+00, v17;
	v7 =	vmul.f32 $6.931471820e-01, v11;
	v20 =	vmul.f32 $6.151470820e-03, v8  }
0x117: {  	v15 =	vadd.f32 $-1.000000000e+00, v21;
	v13 =	vmul.f32 $6.931471820e-01, v13;
	v11 =	vmul.f32 $6.931471820e-01, v14  }
0x118: {  	v14 =	vadd.f32 $-1.000000000e+00, v19;
	v17 =	vmul.f32 $6.151470820e-03, v6;
	v18 =	vmul.f32 $6.151470820e-03, v4  }
0x119: {  	v19 =	vmul.f32 $6.151470820e-03, v10;
	v23 =	vmul.f32 $6.151470820e-03, v15;
	v22 =	vsub.f32 $3.484971080e-02, v22  }
0x11a: {  	v24 =	vmul.f32 $6.151470820e-03, v16;
	v20 =	vsub.f32 $3.484971080e-02, v20;
	v18 =	vsub.f32 $3.484971080e-02, v18  }
0x11b: {  	v21 =	vmul.f32 $6.151470820e-03, v14;
	v17 =	vsub.f32 $3.484971080e-02, v17;
	v19 =	vsub.f32 $3.484971080e-02, v19  }
0x11c: {  	v23 =	vsub.f32 $3.484971080e-02, v23;
	v22 =	vmul.f32 v22, v12;
	v20 =	vmul.f32 v20, v8  }
0x11d: {  	v24 =	vsub.f32 $3.484971080e-02, v24;
	v17 =	vmul.f32 v17, v6;
	v18 =	vmul.f32 v18, v4  }
0x11e: {  	v21 =	vsub.f32 $3.484971080e-02, v21;
	v19 =	vmul.f32 v19, v10;
	v23 =	vmul.f32 v23, v15  }
0x11f: {  	v24 =	vmul.f32 v24, v16;
	v22 =	vadd.f32 $-9.325204040e-02, v22;
	v20 =	vadd.f32 $-9.325204040e-02, v20  }
0x120: {  	v21 =	vmul.f32 v21, v14;
	v17 =	vadd.f32 $-9.325204040e-02, v17;
	v18 =	vadd.f32 $-9.325204040e-02, v18  }
0x121: {  	v19 =	vadd.f32 $-9.325204040e-02, v19;
	v24 =	vadd.f32 $-9.325204040e-02, v24;
	v22 =	vmul.f32 v22, v12  }
0x122: {  	v23 =	vadd.f32 $-9.325204040e-02, v23;
	v20 =	vmul.f32 v20, v8;
	v18 =	vmul.f32 v18, v4  }
0x123: {  	v21 =	vadd.f32 $-9.325204040e-02, v21;
	v17 =	vmul.f32 v17, v6;
	v19 =	vmul.f32 v19, v10  }
0x124: {  	v24 =	vmul.f32 v24, v16;
	v22 =	vadd.f32 $1.658227590e-01, v22;
	v20 =	vadd.f32 $1.658227590e-01, v20  }
0x125: {  	v23 =	vmul.f32 v23, v15;
	v17 =	vadd.f32 $1.658227590e-01, v17;
	v18 =	vadd.f32 $1.658227590e-01, v18  }
0x126: {  	v21 =	vmul.f32 v21, v14;
	v24 =	vadd.f32 $1.658227590e-01, v24;
	v26 =	vmul.f32 v20, v8  }
0x127: {  	v19 =	vadd.f32 $1.658227590e-01, v19;
	v20 =	vmul.f32 v22, v12;
	v18 =	vmul.f32 v18, v4  }
0x128: {  	v23 =	vadd.f32 $1.658227590e-01, v23;
	v17 =	vmul.f32 v17, v6;
	v24 =	vmul.f32 v24, v16  }
0x129: {  	v21 =	vadd.f32 $1.658227590e-01, v21;
	v19 =	vmul.f32 v19, v10;
	v18 =	vadd.f32 $-2.398261580e-01, v18  }
0x12a: {  	v25 =	vmul.f32 v23, v15;
	v24 =	vadd.f32 $-2.398261580e-01, v24;
	v22 =	vadd.f32 $-2.398261580e-01, v17  }
0x12b: {  	s1 =	simm.s32 $0x0;
	s5 =	simm.s32 $0x19440;
	v23 =	vmul.f32 v21, v14;
	v19 =	vadd.f32 $-2.398261580e-01, v19;
	v21 =	vadd.f32 $-2.398261580e-01, v26  }
.LBB2_5:
0x12c: {  	v17 =	vld [tilespmem:s5+$0x30];
	v26 =	vmul.f32 v24, v16;
	v25 =	vadd.f32 $-2.398261580e-01, v25;
	v20 =	vadd.f32 $-2.398261580e-01, v20;
	s31 =	sadd.s32 $0x80, s31  }
0x12d: {  	v22 =	vmul.f32 v22, v6;
	v28 =	vmul.f32 v18, v4;
	v24 =	vld [tilespmem:s31+$0x30];
	v27 =	vadd.f32 $-2.398261580e-01, v23  }
0x12e: {  	v21 =	vmul.f32 v21, v8;
	v18 =	vld [tilespmem:s5+$0x20];
	v26 =	vadd.f32 $3.315486310e-01, v26;
	v25 =	vmul.f32 v25, v15  }
0x12f: {  	v29 =	vmul.f32 v19, v10;
	v28 =	vadd.f32 $3.315486310e-01, v28;
	v23 =	vld [tilespmem:s31+$0x20];
	v27 =	vmul.f32 v27, v14  }
0x130: {  	v22 =	vadd.f32 $3.315486310e-01, v22;
	v19 =	vld [tilespmem:s5+$0x10];
	v26 =	vmul.f32 v26, v16;
	v25 =	vadd.f32 $3.315486310e-01, v25  }
0x131: {  	v31 =	vmul.f32 v20, v12;
	v32 =	vadd.f32 $3.315486310e-01, v21;
	v30 =	vld [tilespmem:s31+$0x10];
	v27 =	vadd.f32 $3.315486310e-01, v27  }
0x132: {  	v29 =	vadd.f32 $3.315486310e-01, v29;
	v20 =	vld [tilespmem:s5+$0x0];
	v26 =	vadd.f32 $-4.998385610e-01, v26;
	v25 =	vmul.f32 v25, v15  }
0x133: {  	v31 =	vadd.f32 $3.315486310e-01, v31;
	v28 =	vmul.f32 v28, v4;
	v33 =	vld [tilespmem:s31+$0x0];
	v27 =	vmul.f32 v27, v14  }
0x134: {  	v34 =	vmul.f32 v22, v6;
	v21 =	vld [tilespmem:s5+$0xFFFFFFF0];
	v26 =	vmul.f32 v26, v16;
	v25 =	vadd.f32 $-4.998385610e-01, v25  }
0x135: {  	s4 =	sadd.s32 $0x100, s4;
	v32 =	vmul.f32 v32, v8;
	v31 =	vmul.f32 v31, v12;
	v35 =	vld [tilespmem:s31+$0xFFFFFFF0];
	v27 =	vadd.f32 $-4.998385610e-01, v27  }
0x136: {  	v29 =	vmul.f32 v29, v10;
	v36 =	vld [tilespmem:s4+$0x30];
	v26 =	vadd.f32 $9.999942770e-01, v26;
	v25 =	vmul.f32 v25, v15  }
0x137: {  	v28 =	vadd.f32 $-4.998385610e-01, v28;
	v31 =	vadd.f32 $-4.998385610e-01, v31;
	v22 =	vld [tilespmem:s5+$0xFFFFFFE0];
	v27 =	vmul.f32 v27, v14  }
0x138: {  	v34 =	vadd.f32 $-4.998385610e-01, v34;
	v37 =	vld [tilespmem:s31+$0xFFFFFFE0];
	v26 =	vmul.f32 v26, v16;
	v25 =	vadd.f32 $9.999942770e-01, v25  }
0x139: {  	v29 =	vadd.f32 $-4.998385610e-01, v29;
	v31 =	vmul.f32 v31, v12;
	v38 =	vld [tilespmem:s4+$0x20];
	v27 =	vadd.f32 $9.999942770e-01, v27  }
0x13a: {  	v16 =	vld [tilespmem:s5+$0xFFFFFFD0];
	v26 =	vadd.f32 $3.386965370e-08, v26;
	v15 =	vmul.f32 v25, v15;
	v25 =	vadd.f32 $-4.998385610e-01, v32  }
0x13b: {  	v29 =	vmul.f32 v29, v10;
	v32 =	vld [tilespmem:s31+$0xFFFFFFD0];
	v14 =	vmul.f32 v27, v14;
	v27 =	vadd.f32 $9.999942770e-01, v31  }
0x13c: {  	v31 =	vld [tilespmem:s4+$0x10];
	v13 =	vadd.f32 v26, v13;
	v15 =	vadd.f32 $3.386965370e-08, v15;
	v25 =	vmul.f32 v25, v8  }
0x13d: {  	v26 =	vld [tilespmem:s5+$0xFFFFFFC0];
	v14 =	vadd.f32 $3.386965370e-08, v14;
	v12 =	vmul.f32 v27, v12;
	v27 =	vadd.f32 $9.999942770e-01, v29  }
0x13e: {  	v29 =	vld [tilespmem:s31+$0xFFFFFFC0];
	v0 =	vsub.f32 v0, v13;
	v11 =	vadd.f32 v15, v11;
	v13 =	vmul.f32 v34, v6  }
0x13f: {  	v25 =	vadd.f32 $9.999942770e-01, v25;
	v15 =	vld [tilespmem:s4+$0x0];
	v12 =	vadd.f32 $3.386965370e-08, v12;
	v10 =	vmul.f32 v27, v10  }
0x140: {  	v9 =	vadd.f32 v14, v9;
	v27 =	vld [tilespmem:s4+$0xFFFFFFF0];
	v0 =	vsub.f32 v0, v11;
	v11 =	vmul.f32 v28, v4  }
0x141: {  	v8 =	vmul.f32 v25, v8;
	v13 =	vadd.f32 $9.999942770e-01, v13;
	v14 =	vld [tilespmem:s4+$0xFFFFFFE0];
	v10 =	vadd.f32 $3.386965370e-08, v10  }
0x142: {  	v5 =	vmul.f32 $6.931471820e-01, v5;
	v7 =	vadd.f32 v12, v7;
	v25 =	vld [tilespmem:s4+$0xFFFFFFD0];
	v0 =	vsub.f32 v0, v9  }
0x143: {  	v8 =	vadd.f32 $3.386965370e-08, v8;
	v6 =	vmul.f32 v13, v6;
	v11 =	vadd.f32 $9.999942770e-01, v11;
	v9 =	vld [tilespmem:s4+$0xFFFFFFC0]  }
0x144: {  	v3 =	vmul.f32 $6.931471820e-01, v3;
	v5 =	vadd.f32 v10, v5;
	v12 =	vld.idx.msk [tilespmem:v36+s6+$0x0], $0xffff;
	v0 =	vsub.f32 v0, v7  }
0x145: {  	v1 =	vcvt.s32.f32 v1;
	v6 =	vadd.f32 $3.386965370e-08, v6;
	v4 =	vmul.f32 v11, v4;
	v7 =	vld.idx.msk [tilespmem:v38+s6+$0x0], $0xffff  }
0x146: {  	v2 =	vmul.f32 $6.931471820e-01, v2;
	v3 =	vadd.f32 v8, v3;
	v10 =	vld.idx.msk [tilespmem:v31+s6+$0x0], $0xffff;
	v0 =	vsub.f32 v0, v5  }
0x147: {  	vm0 =	vne.s32 v24, $0x0;
	v8 =	vsub.f32 $1.000000000e+00, v17;
	v4 =	vadd.f32 $3.386965370e-08, v4;
	v5 =	vld.idx.msk [tilespmem:v15+s6+$0x0], $0xffff  }
0x148: {  	v1 =	vmul.f32 $6.931471820e-01, v1;
	v2 =	vadd.f32 v6, v2;
	v11 =	vld.idx.msk [tilespmem:v27+s6+$0x0], $0xffff;
	v0 =	vsub.f32 v0, v3  }
0x149: {  	vm2 =	vne.s32 v23, $0x0;
	v13 =	vsub.f32 $1.000000000e+00, v18;
	v6 =	vsub.f32 $1.000000000e+00, v19;
	v3 =	vld.idx.msk [tilespmem:v14+s6+$0x0], $0xffff  }
0x14a: {  	vm1 =	vne.s32 v30, $0x0;
	v1 =	vadd.f32 v4, v1;
	v14 =	vld.idx.msk [tilespmem:v25+s6+$0x0], $0xffff;
	v0 =	vsub.f32 v0, v2  }
0x14b: {  	vm4 =	vne.s32 v33, $0x0;
	vm3 =	vne.s32 v35, $0x0;
	v4 =	vsub.f32 $1.000000000e+00, v20;
	v2 =	vld.idx.msk [tilespmem:v9+s6+$0x0], $0xffff  }
0x14c: {  	vm5 =	vne.s32 v37, $0x0;
	v9 =	vsub.f32 $1.000000000e+00, v21;
	v0 =	vsub.f32 v0, v1  }
0x14d: {  	vm6 =	vne.s32 v32, $0x0;
	v15 =	vsub.f32 $1.000000000e+00, v22;
	v1 =	vsub.f32 $1.000000000e+00, v16  }
0x14e: {  	v23 =	vsub.f32 $1.000000000e+00, v26;
	vm7 =	vne.s32 v29, $0x0;
	vm8 =	vgt.f32 v12, $8.999999760e-01  }
0x14f: {  	vm11 =	vgt.f32 v7, $8.999999760e-01;
	vm10 =	vgt.f32 v10, $8.999999760e-01;
	vm9 =	vgt.f32 v5, $8.999999760e-01  }
0x150: {  	vm14 =	vgt.f32 v11, $8.999999760e-01;
	vm13 =	vgt.f32 v3, $8.999999760e-01;
	vm12 =	vgt.f32 v14, $8.999999760e-01  }
0x151: {  	vm0 =	vmand vm8, vm0;
	vm2 =	vmand vm11, vm2;
	vm15 =	vgt.f32 v2, $8.999999760e-01  }
0x152: {  	vm1 =	vmand vm10, vm1;
	vm4 =	vmand vm9, vm4;
	vm3 =	vmand vm14, vm3  }
0x153: {  	vm5 =	vmand vm13, vm5;
	vm6 =	vmand vm12, vm6;
	vm7 =	vmand vm15, vm7  }
0x154: {  	v5 =	vsel vm0, v17, v8;
	v3 =	vsel vm2, v18, v13;
	v2 =	vsel vm1, v19, v6  }
0x155: {  	v4 =	vsel vm4, v20, v4;
	v7 =	vsel vm3, v21, v9;
	v6 =	vsel vm5, v22, v15  }
0x156: {  	v9 =	vshra.s32 v5, $0x17;
	v1 =	vsel vm6, v16, v1;
	v8 =	vsel vm7, v26, v23  }
0x157: {  	s1 =	sadd.s32 $0x80, s1;
	v10 =	vshra.s32 v4, $0x17;
	v12 =	vshra.s32 v3, $0x17;
	v11 =	vshra.s32 v2, $0x17  }
0x158: {  	p0 =	slt.u32 s1, $0xC00;
	v15 =	vshra.s32 v7, $0x17;
	v14 =	vshra.s32 v6, $0x17;
	v13 =	vshra.s32 v1, $0x17  }
0x159: {  	v3 =	vand.u32 $0x7FFFFF, v3;
	v5 =	vand.u32 $0x7FFFFF, v5;
	v16 =	vshra.s32 v8, $0x17  }
0x15a: {  	v4 =	vand.u32 $0x7FFFFF, v4;
	v7 =	vand.u32 $0x7FFFFF, v7;
	v2 =	vand.u32 $0x7FFFFF, v2  }
0x15b: {  	v6 =	vand.u32 $0x7FFFFF, v6;
	v17 =	vand.u32 $0x7FFFFF, v1;
	v8 =	vand.u32 $0x7FFFFF, v8  }
0x15c: {  	v12 =	vadd.s32 $0xFFFFFF81, v12;
	v11 =	vadd.s32 $0xFFFFFF81, v11;
	v1 =	vadd.s32 $0xFFFFFF81, v9  }
0x15d: {  	v10 =	vadd.s32 $0xFFFFFF81, v10;
	v9 =	vadd.s32 $0xFFFFFF81, v14;
	v14 =	vadd.s32 $0xFFFFFF81, v15  }
0x15e: {  	v13 =	vadd.s32 $0xFFFFFF81, v13;
	v15 =	vadd.s32 $0xFFFFFF81, v16;
	v16 =	vor.u32 $0x3F800000, v5  }
0x15f: {  	v18 =	vor.u32 $0x3F800000, v4;
	v4 =	vor.u32 $0x3F800000, v3;
	v19 =	vor.u32 $0x3F800000, v2  }
0x160: {  	v7 =	vor.u32 $0x3F800000, v7;
	v20 =	vor.u32 $0x3F800000, v6;
	v2 =	vcvt.s32.f32 v12  }
0x161: {  	v17 =	vor.u32 $0x3F800000, v17;
	v3 =	vcvt.s32.f32 v11;
	v5 =	vcvt.s32.f32 v10  }
0x162: {  	v9 =	vcvt.s32.f32 v9;
	v11 =	vcvt.s32.f32 v14;
	v21 =	vor.u32 $0x3F800000, v8  }
0x163: {  	v6 =	vadd.f32 $-1.000000000e+00, v4;
	v14 =	vcvt.s32.f32 v13;
	v4 =	vadd.f32 $-1.000000000e+00, v16  }
0x164: {  	v10 =	vadd.f32 $-1.000000000e+00, v18;
	v8 =	vadd.f32 $-1.000000000e+00, v19;
	v13 =	vcvt.s32.f32 v15  }
0x165: {  	v12 =	vadd.f32 $-1.000000000e+00, v7;
	v9 =	vmul.f32 $6.931471820e-01, v9;
	v7 =	vmul.f32 $6.931471820e-01, v11  }
0x166: {  	v11 =	vmul.f32 $6.931471820e-01, v14;
	v14 =	vadd.f32 $-1.000000000e+00, v20;
	v13 =	vmul.f32 $6.931471820e-01, v13  }
0x167: {  	v15 =	vadd.f32 $-1.000000000e+00, v17;
	v17 =	vmul.f32 $6.151470820e-03, v6;
	v18 =	vmul.f32 $6.151470820e-03, v4  }
0x168: {  	v16 =	vadd.f32 $-1.000000000e+00, v21;
	v19 =	vmul.f32 $6.151470820e-03, v10;
	v20 =	vmul.f32 $6.151470820e-03, v8  }
0x169: {  	v22 =	vmul.f32 $6.151470820e-03, v12;
	v21 =	vmul.f32 $6.151470820e-03, v14;
	v18 =	vsub.f32 $3.484971080e-02, v18  }
0x16a: {  	v23 =	vmul.f32 $6.151470820e-03, v15;
	v17 =	vsub.f32 $3.484971080e-02, v17;
	v20 =	vsub.f32 $3.484971080e-02, v20  }
0x16b: {  	v22 =	vsub.f32 $3.484971080e-02, v22;
	v24 =	vmul.f32 $6.151470820e-03, v16;
	v19 =	vsub.f32 $3.484971080e-02, v19  }
0x16c: {  	v17 =	vmul.f32 v17, v6;
	v21 =	vsub.f32 $3.484971080e-02, v21;
	v18 =	vmul.f32 v18, v4  }
0x16d: {  	v23 =	vsub.f32 $3.484971080e-02, v23;
	v19 =	vmul.f32 v19, v10;
	v20 =	vmul.f32 v20, v8  }
0x16e: {  	v22 =	vmul.f32 v22, v12;
	v24 =	vsub.f32 $3.484971080e-02, v24;
	v21 =	vmul.f32 v21, v14  }
0x16f: {  	v23 =	vmul.f32 v23, v15;
	v17 =	vadd.f32 $-9.325204040e-02, v17;
	v18 =	vadd.f32 $-9.325204040e-02, v18  }
0x170: {  	v24 =	vmul.f32 v24, v16;
	v19 =	vadd.f32 $-9.325204040e-02, v19;
	v20 =	vadd.f32 $-9.325204040e-02, v20  }
0x171: {  	v22 =	vadd.f32 $-9.325204040e-02, v22;
	v21 =	vadd.f32 $-9.325204040e-02, v21;
	v18 =	vmul.f32 v18, v4  }
0x172: {  	v24 =	vadd.f32 $-9.325204040e-02, v24;
	v17 =	vmul.f32 v17, v6;
	v20 =	vmul.f32 v20, v8  }
0x173: {  	v22 =	vmul.f32 v22, v12;
	v23 =	vadd.f32 $-9.325204040e-02, v23;
	v19 =	vmul.f32 v19, v10  }
0x174: {  	v24 =	vmul.f32 v24, v16;
	v17 =	vadd.f32 $1.658227590e-01, v17;
	v18 =	vadd.f32 $1.658227590e-01, v18  }
0x175: {  	v21 =	vmul.f32 v21, v14;
	v19 =	vadd.f32 $1.658227590e-01, v19;
	v20 =	vadd.f32 $1.658227590e-01, v20  }
0x176: {  	v22 =	vadd.f32 $1.658227590e-01, v22;
	v23 =	vmul.f32 v23, v15;
	v24 =	vadd.f32 $1.658227590e-01, v24  }
.Ltmp1:
0x177: {  	v17 =	vmul.f32 v17, v6;
	v21 =	vadd.f32 $1.658227590e-01, v21;
	v18 =	vmul.f32 v18, v4;
	(pc) =	sbr.rel @p0 .LBB2_5-.Ltmp1, $4  }
0x178: {  	v23 =	vadd.f32 $1.658227590e-01, v23;
	v26 =	vmul.f32 v20, v8;
	v24 =	vmul.f32 v24, v16  }
0x179: {  	v20 =	vmul.f32 v22, v12;
	v19 =	vmul.f32 v19, v10;
	v18 =	vadd.f32 $-2.398261580e-01, v18  }
0x17a: {  	v25 =	vmul.f32 v23, v15;
	v22 =	vadd.f32 $-2.398261580e-01, v17;
	v24 =	vadd.f32 $-2.398261580e-01, v24  }
0x17b: {  	s5 =	sadd.s32 $0x80, s5;
	v23 =	vmul.f32 v21, v14;
	v19 =	vadd.f32 $-2.398261580e-01, v19;
	v21 =	vadd.f32 $-2.398261580e-01, v26  }
0x17c: {  	v17 =	vmul.f32 v24, v16;
	v47 =	vadd.f32 $-2.398261580e-01, v25;
	v20 =	vadd.f32 $-2.398261580e-01, v20  }
0x17d: {  	v22 =	vmul.f32 v22, v6;
	v18 =	vmul.f32 v18, v4;
	v23 =	vadd.f32 $-2.398261580e-01, v23  }
0x17e: {  	v21 =	vmul.f32 v21, v8;
	v17 =	vadd.f32 $3.315486310e-01, v17;
	v24 =	vmul.f32 v47, v15  }
0x17f: {  	v19 =	vmul.f32 v19, v10;
	v18 =	vadd.f32 $3.315486310e-01, v18;
	v23 =	vmul.f32 v23, v14  }
0x180: {  	v22 =	vadd.f32 $3.315486310e-01, v22;
	v17 =	vmul.f32 v17, v16;
	v24 =	vadd.f32 $3.315486310e-01, v24  }
0x181: {  	v20 =	vmul.f32 v20, v12;
	v21 =	vadd.f32 $3.315486310e-01, v21;
	v23 =	vadd.f32 $3.315486310e-01, v23  }
0x182: {  	v19 =	vadd.f32 $3.315486310e-01, v19;
	v17 =	vadd.f32 $-4.998385610e-01, v17;
	v24 =	vmul.f32 v24, v15  }
0x183: {  	v20 =	vadd.f32 $3.315486310e-01, v20;
	v18 =	vmul.f32 v18, v4;
	v23 =	vmul.f32 v23, v14  }
0x184: {  	v22 =	vmul.f32 v22, v6;
	v17 =	vmul.f32 v17, v16;
	v24 =	vadd.f32 $-4.998385610e-01, v24  }
0x185: {  	v21 =	vmul.f32 v21, v8;
	v20 =	vmul.f32 v20, v12;
	v23 =	vadd.f32 $-4.998385610e-01, v23  }
0x186: {  	v19 =	vmul.f32 v19, v10;
	v17 =	vadd.f32 $9.999942770e-01, v17;
	v24 =	vmul.f32 v24, v15  }
0x187: {  	v18 =	vadd.f32 $-4.998385610e-01, v18;
	v20 =	vadd.f32 $-4.998385610e-01, v20;
	v23 =	vmul.f32 v23, v14  }
0x188: {  	v22 =	vadd.f32 $-4.998385610e-01, v22;
	v48 =	vmul.f32 v17, v16;
	v49 =	vadd.f32 $9.999942770e-01, v24  }
0x189: {  	v19 =	vadd.f32 $-4.998385610e-01, v19;
	v20 =	vmul.f32 v20, v12;
	v23 =	vadd.f32 $9.999942770e-01, v23  }
0x18a: {  	v51 =	vadd.f32 $-4.998385610e-01, v21;
	v16 =	vadd.f32 $3.386965370e-08, v48;
	v50 =	vmul.f32 v49, v15  }
0x18b: {  	v19 =	vmul.f32 v19, v10;
	v20 =	vadd.f32 $9.999942770e-01, v20;
	v52 =	vmul.f32 v23, v14  }
0x18c: {  	v53 =	vmul.f32 v51, v8;
	v13 =	vadd.f32 v16, v13;
	v15 =	vadd.f32 $3.386965370e-08, v50  }
0x18d: {  	v55 =	vadd.f32 $9.999942770e-01, v19;
	v54 =	vmul.f32 v20, v12;
	v14 =	vadd.f32 $3.386965370e-08, v52  }
0x18e: {  	v56 =	vmul.f32 v22, v6;
	v0 =	vsub.f32 v0, v13;
	v11 =	vadd.f32 v15, v11  }
0x18f: {  	v58 =	vadd.f32 $9.999942770e-01, v53;
	v57 =	vmul.f32 v55, v10;
	v12 =	vadd.f32 $3.386965370e-08, v54  }
0x190: {  	v59 =	vmul.f32 v18, v4;
	v9 =	vadd.f32 v14, v9;
	v0 =	vsub.f32 v0, v11  }
0x191: {  	v60 =	vmul.f32 v58, v8;
	v10 =	vadd.f32 $3.386965370e-08, v57;
	v13 =	vadd.f32 $9.999942770e-01, v56  }
0x192: {  	v5 =	vmul.f32 $6.931471820e-01, v5;
	v7 =	vadd.f32 v12, v7;
	v0 =	vsub.f32 v0, v9  }
0x193: {  	v3 =	vmul.f32 $6.931471820e-01, v3;
	v62 =	vadd.f32 $9.999942770e-01, v59;
	v8 =	vadd.f32 $3.386965370e-08, v60  }
0x194: {  	s1 =	sadd.s32 $0xC80, s30;
	v5 =	vadd.f32 v10, v5;
	v61 =	vmul.f32 v13, v6;
	v0 =	vsub.f32 v0, v7  }
0x195: {  	v1 =	vcvt.s32.f32 v1;
	s4 =	sshrl.u32 s1, $0x3;
	v63 =	vmul.f32 v62, v4;
	v3 =	vadd.f32 v8, v3  }
0x196: {  	v2 =	vmul.f32 $6.931471820e-01, v2;
	p0 =	sne.s32 s29, s8;
	s5 =	sadd.s32 s0, s4;
	v6 =	vadd.f32 $3.386965370e-08, v61;
	v0 =	vsub.f32 v0, v5  }
0x197: {  	[tilespmem:s20], [sflag:$0x2] =	stream.linear.gather [hbm4b:s5+s6], $0xC80, $0x38;
	v4 =	vadd.f32 $3.386965370e-08, v63;
	[tilespmem:$0x1EB80] =	vst v63  }
.Ltmp2:
0x198: {  	v1 =	vmul.f32 $6.931471820e-01, v1;
	v2 =	vadd.f32 v6, v2;
	v0 =	vsub.f32 v0, v3;
	(pc) =	sbr.rel @p0 .LBB2_2-.Ltmp2, $4  }
0x199: {  	s1 =	sshrl.u32 s1, $0x2;
	s4 =	sadd.s32 s2, s4  }
0x19a: {  	[tilespmem:s21], [sflag:$0x2] =	stream.linear.gather [hbm4b:s4+s6], $0xC80, $0x38;
	v1 =	vadd.f32 v4, v1;
	v0 =	vsub.f32 v0, v2;
	[tilespmem:$0x1EB80] =	vst v63  }
0x19b: {  	s1 =	sadd.s32 s3, s1  }
0x19c: {  	[tilespmem:s22], [sflag:$0x2] =	stream.linear.gather [hbm4b:s1+s6], $0x1900, $0x38;
	v0 =	vsub.f32 v0, v1;
	[tilespmem:$0x1EB80] =	vst v63  }
0x19d: {  	_ =	swait.ge [sflag:s24], $0xC80  }
0x19e: {  	[sflag:s24] =	ssyncset.done $0x0  }
0x19f: {  	[sflag:s24] =	ssyncadd.s32 $0xFFFFF380  }
0x1a0: {  	_ =	swait.ge [sflag:s24], $0xC80  }
0x1a1: {  	[sflag:s24] =	ssyncset.done $0x0  }
0x1a2: {  	[sflag:s24] =	ssyncadd.s32 $0xFFFFF380  }
0x1a3: {  	_ =	swait.ge [sflag:s24], $0x1900  }
0x1a4: {  	[sflag:s24] =	ssyncset.done $0x0  }
0x1a5: {  	[sflag:s24] =	ssyncadd.s32 $0xFFFFE700  }
0x1a6: {  	_ =	swait.ge [sflag:s25], $0xC80  }
0x1a7: {  	[sflag:s25] =	ssyncset.done $0x0  }
0x1a8: {  	[sflag:s25] =	ssyncadd.s32 $0xFFFFF380  }
0x1a9: {  	_ =	swait.ge [sflag:s25], $0xC80  }
0x1aa: {  	[sflag:s25] =	ssyncset.done $0x0  }
0x1ab: {  	[sflag:s25] =	ssyncadd.s32 $0xFFFFF380  }
0x1ac: {  	_ =	swait.ge [sflag:s25], $0x1900  }
0x1ad: {  	s28 =	sadd.s32 $0x1, s28;
	[sflag:s25] =	ssyncset.done $0x0  }
0x1ae: {  	p0 =	sne.s32 s28, s16;
	[sflag:s25] =	ssyncadd.s32 $0xFFFFE700  }
.Ltmp3:
0x1af: {  	[tilespmem:$0x1EB00] =	vst v0;
	(pc) =	sbr.rel @p0 .LBB2_1-.Ltmp3, $4  }
0x1b0: {  	[hbm4b:s15+s6] =	stream.linear.scatter [tilespmem:s26], [sflag:$0x3], $0x80, $0x38;
	[tilespmem:$0x1EB80] =	vst v63  }
0x1b1: {  	_ =	swait.ge [sflag:s23], $0x80  }
0x1b2: {  	[sflag:s23] =	ssyncset.done $0x0  }
0x1b3: {  	[sflag:s23] =	ssyncadd.s32 $0xFFFFFF80  }
0x1b4: {  	_ =	sfence.sel $0x180000  }
0x1b5: {  	[bflag:$0x0] =	sbarrier.arrive $0xFFFF  }
0x1b6: {  	_ =	strace $0x90000047  }
0x1b7: {  	s0 =	stileid.u32;
	[bflag:$0x2] =	sbarrier.arrive $0xFFFF  }
0x1b8: {  	p0 =	sne.s32 s0, $0x0;
	s0 =	rddreg [dreg:$0x5]  }
0x1b9: {  	s0 =	sadd.s32 @!p0 $0x100000, s0  }
0x1ba: {  	[sflag:s0] =	ssyncadd.tile.s32 @!p0 $0x1;
	_ =	shalt  }
.Lfunc_end2:
_tile_overlayer_lowered:
.L_overlay_start_2:
0x1bb: {  	(tag) =	ssettag $0x2  }
0x1bc: {  	s0 =	rddreg [dreg:$0x0];
	s2 =	stileid.u32  }
0x1bd: {  	s1 =	rddreg [dreg:$0x1];
	p0 =	sne.s32 s2, $0x0  }
0x1be: {  	s3 =	rddreg [dreg:$0x2];
	[bflag:$0x3] =	sbarrier.arrive $0xFFFF;
	s2 =	simm.s32 @!p0 $0x1C03  }
0x1bf: {  	[timem:s3], [sflag:s2] =	dma.local @!p0 [hbm:s0], s1  }
0x1c0: {  	s0 =	simm.s32 @!p0 $0x3  }
0x1c1: {  	_ =	swait.ge @!p0 [sflag:s0], s1  }
0x1c2: {  	s1 =	ssub.s32 @!p0 $0x0, s1;
	[sflag:s0] =	ssyncset.done @!p0 $0x0  }
0x1c3: {  	[sflag:s0] =	ssyncadd.s32 @!p0 s1  }
0x1c4: {  	[bflag:$0x3] =	sbarrier.arrive $0xFFFF  }
0x1c5: {  	_ =	shalt  }

</sc_bundles>
